<compile_context>
chip_gen: v7x
topology: tpu7x:2x2x1
jax: 0.10.2.dev20260603
libtpu: 0.0.44.dev20260713+nightly
codegen_flags: <defaults>
</compile_context>

<pallas_src>
import functools

import jax
import jax.numpy as jnp
from jax import lax
from jax.experimental import pallas as pl
from jax.experimental.pallas import tpu as pltpu
from jax.experimental.pallas import tpu_sc as plsc

_NBUF = 4


def _gather_flat(obs_flat, table, n_workers, chunk):
    n = obs_flat.shape[0]
    d = table.shape[1]
    per_w = n // n_workers
    steps = per_w // chunk
    assert steps % _NBUF == 0 and steps >= 2 * _NBUF
    mesh = plsc.VectorSubcoreMesh(core_axis_name="c", subcore_axis_name="s")

    @functools.partial(
        pl.kernel,
        mesh=mesh,
        out_type=jax.ShapeDtypeStruct((n, d), jnp.float32),
        scratch_types=[
            pltpu.VMEM((per_w,), jnp.int32),
            pltpu.VMEM((_NBUF, chunk, d), jnp.float32),
        ]
        + [pltpu.SemaphoreType.DMA] * (2 * _NBUF),
        compiler_params=pltpu.CompilerParams(use_tc_tiling_on_sc=False),
    )
    def run(obs_hbm, table_hbm, out_hbm, idx_v, rows_v, *sems):
        gat = sems[:_NBUF]
        out = sems[_NBUF:]
        info = plsc.get_sparse_core_info()
        nc = info.num_cores
        wid = lax.axis_index("s") * nc + lax.axis_index("c")
        wbase = wid * per_w

        pltpu.sync_copy(obs_hbm.at[pl.ds(wbase, per_w)], idx_v)

        def gather_cp(g, b):
            return pltpu.make_async_copy(
                table_hbm.at[idx_v.at[pl.ds(g * chunk, chunk)]],
                rows_v.at[b],
                gat[b],
            )

        def store_cp(g, b):
            return pltpu.make_async_copy(
                rows_v.at[b],
                out_hbm.at[pl.ds(wbase + g * chunk, chunk)],
                out[b],
            )

        for b in range(_NBUF):
            gather_cp(b, b).start()
        for b in range(2):
            gather_cp(b, b).wait()
            store_cp(b, b).start()

        def body(k, carry):
            g0 = _NBUF * k
            for b in range(_NBUF):
                g = g0 + b
                store_cp(g - _NBUF, b).wait()
                gather_cp(g, b).start()
                b2 = (b + 2) % _NBUF
                gather_cp(g - 2, b2).wait()
                store_cp(g - 2, b2).start()
            return carry

        lax.fori_loop(1, steps // _NBUF, body, 0)

        for g in (steps - 2, steps - 1):
            b = g % _NBUF
            gather_cp(g, b).wait()
            store_cp(g, b).start()
        for b in range(_NBUF):
            store_cp(steps - _NBUF + b, b).wait()

    return run(obs_flat, table)


def kernel(obs, table):
    b, f = obs.shape
    d = table.shape[1]
    n = b * f
    obs_flat = obs.reshape(n).astype(jnp.int32)
    out = _gather_flat(obs_flat, table, n_workers=32, chunk=512)
    return out.reshape(b, f * d)

# --- scband reference (transcript-rebuilt; emitter-appended) ---
"""Pipeline reference for scband-token-obs-encoder-3642132267046 (READ-ONLY COPY).

The authoritative reference and input builder live on the scoring server;
editing this copy changes nothing except your own understanding.
"""

import jax, jax.numpy as jnp
import numpy as np

VOCAB = 1000000
EMBED_DIM = 32
BATCH = 16384
N_FIELDS = 100

def setup_inputs(seed: int = 0) -> dict:
    key = jax.random.key(seed)
    k_obs, k_tab = jax.random.split(key)
    obs = jax.random.randint(k_obs, (BATCH, N_FIELDS), 0, VOCAB, dtype=jnp.int64 if jax.config.read('jax_enable_x64') else jnp.int32)
    table = jax.random.normal(k_tab, (VOCAB, EMBED_DIM), dtype=jnp.float32)
    return {"obs": obs, "table": table}

def reference(obs, table):
    # TokenObsEncoder.forward: self.embeddings(obs).flatten(start_dim=1)
    emb = jnp.take(table, obs, axis=0)           # [B, L, embed_dim]
    out = emb.reshape(emb.shape[0], -1)          # flatten(start_dim=1) -> [B, L*embed_dim]
    return out

if __name__ == "__main__":
    import jax
    _d = setup_inputs()
    print(jax.jit(kernel)(*tuple(_d.values())))

</pallas_src>

<mosaic_0001>
#map = affine_map<(d0, d1) -> (0)>
#map1 = affine_map<(d0, d1) -> (0, 0)>
module attributes {stable_mosaic.version = 14 : i64} {
  func.func @run(%arg0: i32, %arg1: i32, %arg2: memref<1638400xi32, #tpu.memory_space<hbm>>, %arg3: memref<1000000x32xf32, #tpu.memory_space<hbm>>, %arg4: memref<1638400x32xf32, #tpu.memory_space<hbm>>, %arg5: memref<51200xi32, #tpu.memory_space<vmem>>, %arg6: memref<4x512x32xf32, #tpu.memory_space<vmem>>, %arg7: memref<!tpu.dma_semaphore, #tpu.memory_space<semaphore_mem>>, %arg8: memref<!tpu.dma_semaphore, #tpu.memory_space<semaphore_mem>>, %arg9: memref<!tpu.dma_semaphore, #tpu.memory_space<semaphore_mem>>, %arg10: memref<!tpu.dma_semaphore, #tpu.memory_space<semaphore_mem>>, %arg11: memref<!tpu.dma_semaphore, #tpu.memory_space<semaphore_mem>>, %arg12: memref<!tpu.dma_semaphore, #tpu.memory_space<semaphore_mem>>, %arg13: memref<!tpu.dma_semaphore, #tpu.memory_space<semaphore_mem>>, %arg14: memref<!tpu.dma_semaphore, #tpu.memory_space<semaphore_mem>>) attributes {dimension_semantics = [#tpu.dimension_semantics<core_parallel>, #tpu.dimension_semantics<subcore_parallel>], iteration_bounds = array<i64: 2, 16>, scalar_prefetch = 0 : i64, scratch_operands = 10 : i64, tpu.core_type = #tpu.core_type<sc_vector_subcore>, window_params = [{transform_indices = #map}, {transform_indices = #map1}, {transform_indices = #map1}]} {
    %mul3A = arith.constant 2 : i32
    %mul3A_0 = arith.muli %arg1, %mul3A : i32
    %add3A = arith.addi %mul3A_0, %arg0 : i32
    %mul3A_1 = arith.constant 51200 : i32
    %mul3A_2 = arith.muli %add3A, %mul3A_1 : i32
    "tpu.region"() ({
      %run_scoped3A = tpu.sem_alloc : memref<!tpu.dma_semaphore, #tpu.memory_space<semaphore_mem>>
      %dma_start3A_206 = tpu.memref_slice %arg2[%mul3A_2] : memref<1638400xi32, #tpu.memory_space<hbm>> -> memref<51200xi32, #tpu.memory_space<hbm>>
      %dma_start3A_207 = tpu.memref_slice %arg2[%mul3A_2] : memref<1638400xi32, #tpu.memory_space<hbm>> -> memref<51200xi32, #tpu.memory_space<hbm>>
      tpu.enqueue_dma source(%dma_start3A_207 : memref<51200xi32, #tpu.memory_space<hbm>>) target(%arg5 : memref<51200xi32, #tpu.memory_space<vmem>>) target_semaphore(%run_scoped3A : memref<!tpu.dma_semaphore, #tpu.memory_space<semaphore_mem>>)
      %dma_wait3A_208 = tpu.memref_slice %arg2[%mul3A_2] : memref<1638400xi32, #tpu.memory_space<hbm>> -> memref<51200xi32, #tpu.memory_space<hbm>>
      %dma_wait3A_209 = tpu.memref_slice %arg2[%mul3A_2] : memref<1638400xi32, #tpu.memory_space<hbm>> -> memref<51200xi32, #tpu.memory_space<hbm>>
      tpu.wait_dma2 semaphore(%run_scoped3A : memref<!tpu.dma_semaphore, #tpu.memory_space<semaphore_mem>>) src(%dma_wait3A_209 : memref<51200xi32, #tpu.memory_space<hbm>>) dst(%arg5 : memref<51200xi32, #tpu.memory_space<vmem>>)
      tpu.yield
    }) : () -> ()
    %dma_start3A = arith.constant 0 : i32
    %dma_start3A_3 = arith.constant 0 : i32
    %dma_start3A_4 = arith.constant 0 : i32
    %dma_start3A_5 = tpu.memref_slice %arg6[%dma_start3A, %dma_start3A_3, %dma_start3A_4] : memref<4x512x32xf32, #tpu.memory_space<vmem>> -> memref<1x512x32xf32, #tpu.memory_space<vmem>>
    %dma_start3A_6 = tpu.memref_squeeze %dma_start3A_5 : memref<1x512x32xf32, #tpu.memory_space<vmem>> -> memref<512x32xf32, #tpu.memory_space<vmem>>
    %dma_start3A_7 = arith.constant 0 : i32
    %dma_start3A_8 = tpu.memref_slice %arg5[%dma_start3A_7] : memref<51200xi32, #tpu.memory_space<vmem>> -> memref<512xi32, #tpu.memory_space<vmem>>
    %dma_start3A_9 = arith.constant 0 : i32
    %dma_start3A_10 = arith.constant 0 : i32
    %dma_start3A_11 = tpu.memref_slice %arg3[%dma_start3A_9, %dma_start3A_10] : memref<1000000x32xf32, #tpu.memory_space<hbm>> -> memref<1000000x32xf32, #tpu.memory_space<hbm>>
    tpu.enqueue_indirect_dma source(%dma_start3A_11 : memref<1000000x32xf32, #tpu.memory_space<hbm>>) target(%dma_start3A_6 : memref<512x32xf32, #tpu.memory_space<vmem>>) offsets(%dma_start3A_8 : memref<512xi32, #tpu.memory_space<vmem>>) semaphore(%arg7 : memref<!tpu.dma_semaphore, #tpu.memory_space<semaphore_mem>>)
    %dma_start3A_12 = arith.constant 1 : i32
    %dma_start3A_13 = arith.constant 0 : i32
    %dma_start3A_14 = arith.constant 0 : i32
    %dma_start3A_15 = tpu.memref_slice %arg6[%dma_start3A_12, %dma_start3A_13, %dma_start3A_14] : memref<4x512x32xf32, #tpu.memory_space<vmem>> -> memref<1x512x32xf32, #tpu.memory_space<vmem>>
    %dma_start3A_16 = tpu.memref_squeeze %dma_start3A_15 : memref<1x512x32xf32, #tpu.memory_space<vmem>> -> memref<512x32xf32, #tpu.memory_space<vmem>>
    %dma_start3A_17 = arith.constant 512 : i32
    %dma_start3A_18 = tpu.memref_slice %arg5[%dma_start3A_17] : memref<51200xi32, #tpu.memory_space<vmem>> -> memref<512xi32, #tpu.memory_space<vmem>>
    %dma_start3A_19 = arith.constant 0 : i32
    %dma_start3A_20 = arith.constant 0 : i32
    %dma_start3A_21 = tpu.memref_slice %arg3[%dma_start3A_19, %dma_start3A_20] : memref<1000000x32xf32, #tpu.memory_space<hbm>> -> memref<1000000x32xf32, #tpu.memory_space<hbm>>
    tpu.enqueue_indirect_dma source(%dma_start3A_21 : memref<1000000x32xf32, #tpu.memory_space<hbm>>) target(%dma_start3A_16 : memref<512x32xf32, #tpu.memory_space<vmem>>) offsets(%dma_start3A_18 : memref<512xi32, #tpu.memory_space<vmem>>) semaphore(%arg8 : memref<!tpu.dma_semaphore, #tpu.memory_space<semaphore_mem>>)
    %dma_start3A_22 = arith.constant 2 : i32
    %dma_start3A_23 = arith.constant 0 : i32
    %dma_start3A_24 = arith.constant 0 : i32
    %dma_start3A_25 = tpu.memref_slice %arg6[%dma_start3A_22, %dma_start3A_23, %dma_start3A_24] : memref<4x512x32xf32, #tpu.memory_space<vmem>> -> memref<1x512x32xf32, #tpu.memory_space<vmem>>
    %dma_start3A_26 = tpu.memref_squeeze %dma_start3A_25 : memref<1x512x32xf32, #tpu.memory_space<vmem>> -> memref<512x32xf32, #tpu.memory_space<vmem>>
    %dma_start3A_27 = arith.constant 1024 : i32
    %dma_start3A_28 = tpu.memref_slice %arg5[%dma_start3A_27] : memref<51200xi32, #tpu.memory_space<vmem>> -> memref<512xi32, #tpu.memory_space<vmem>>
    %dma_start3A_29 = arith.constant 0 : i32
    %dma_start3A_30 = arith.constant 0 : i32
    %dma_start3A_31 = tpu.memref_slice %arg3[%dma_start3A_29, %dma_start3A_30] : memref<1000000x32xf32, #tpu.memory_space<hbm>> -> memref<1000000x32xf32, #tpu.memory_space<hbm>>
    tpu.enqueue_indirect_dma source(%dma_start3A_31 : memref<1000000x32xf32, #tpu.memory_space<hbm>>) target(%dma_start3A_26 : memref<512x32xf32, #tpu.memory_space<vmem>>) offsets(%dma_start3A_28 : memref<512xi32, #tpu.memory_space<vmem>>) semaphore(%arg9 : memref<!tpu.dma_semaphore, #tpu.memory_space<semaphore_mem>>)
    %dma_start3A_32 = arith.constant 3 : i32
    %dma_start3A_33 = arith.constant 0 : i32
    %dma_start3A_34 = arith.constant 0 : i32
    %dma_start3A_35 = tpu.memref_slice %arg6[%dma_start3A_32, %dma_start3A_33, %dma_start3A_34] : memref<4x512x32xf32, #tpu.memory_space<vmem>> -> memref<1x512x32xf32, #tpu.memory_space<vmem>>
    %dma_start3A_36 = tpu.memref_squeeze %dma_start3A_35 : memref<1x512x32xf32, #tpu.memory_space<vmem>> -> memref<512x32xf32, #tpu.memory_space<vmem>>
    %dma_start3A_37 = arith.constant 1536 : i32
    %dma_start3A_38 = tpu.memref_slice %arg5[%dma_start3A_37] : memref<51200xi32, #tpu.memory_space<vmem>> -> memref<512xi32, #tpu.memory_space<vmem>>
    %dma_start3A_39 = arith.constant 0 : i32
    %dma_start3A_40 = arith.constant 0 : i32
    %dma_start3A_41 = tpu.memref_slice %arg3[%dma_start3A_39, %dma_start3A_40] : memref<1000000x32xf32, #tpu.memory_space<hbm>> -> memref<1000000x32xf32, #tpu.memory_space<hbm>>
    tpu.enqueue_indirect_dma source(%dma_start3A_41 : memref<1000000x32xf32, #tpu.memory_space<hbm>>) target(%dma_start3A_36 : memref<512x32xf32, #tpu.memory_space<vmem>>) offsets(%dma_start3A_38 : memref<512xi32, #tpu.memory_space<vmem>>) semaphore(%arg10 : memref<!tpu.dma_semaphore, #tpu.memory_space<semaphore_mem>>)
    %dma_wait3A = arith.constant 0 : i32
    %dma_wait3A_42 = arith.constant 0 : i32
    %dma_wait3A_43 = arith.constant 0 : i32
    %dma_wait3A_44 = tpu.memref_slice %arg6[%dma_wait3A, %dma_wait3A_42, %dma_wait3A_43] : memref<4x512x32xf32, #tpu.memory_space<vmem>> -> memref<1x512x32xf32, #tpu.memory_space<vmem>>
    %dma_wait3A_45 = tpu.memref_squeeze %dma_wait3A_44 : memref<1x512x32xf32, #tpu.memory_space<vmem>> -> memref<512x32xf32, #tpu.memory_space<vmem>>
    %dma_wait3A_46 = arith.constant 0 : i32
    %dma_wait3A_47 = tpu.memref_slice %arg5[%dma_wait3A_46] : memref<51200xi32, #tpu.memory_space<vmem>> -> memref<512xi32, #tpu.memory_space<vmem>>
    %dma_wait3A_48 = arith.constant 0 : i32
    %dma_wait3A_49 = arith.constant 0 : i32
    %dma_wait3A_50 = tpu.memref_slice %arg3[%dma_wait3A_48, %dma_wait3A_49] : memref<1000000x32xf32, #tpu.memory_space<hbm>> -> memref<1000000x32xf32, #tpu.memory_space<hbm>>
    tpu.wait_indirect_dma semaphore(%arg7 : memref<!tpu.dma_semaphore, #tpu.memory_space<semaphore_mem>>) src(%dma_wait3A_50 : memref<1000000x32xf32, #tpu.memory_space<hbm>>) dst(%dma_wait3A_45 : memref<512x32xf32, #tpu.memory_space<vmem>>)
    %add3A_51 = arith.constant 0 : i32
    %add3A_52 = arith.addi %mul3A_2, %add3A_51 : i32
    %dma_start3A_53 = arith.constant 0 : i32
    %dma_start3A_54 = arith.constant 0 : i32
    %dma_start3A_55 = arith.constant 0 : i32
    %dma_start3A_56 = tpu.memref_slice %arg6[%dma_start3A_53, %dma_start3A_54, %dma_start3A_55] : memref<4x512x32xf32, #tpu.memory_space<vmem>> -> memref<1x512x32xf32, #tpu.memory_space<vmem>>
    %dma_start3A_57 = tpu.memref_squeeze %dma_start3A_56 : memref<1x512x32xf32, #tpu.memory_space<vmem>> -> memref<512x32xf32, #tpu.memory_space<vmem>>
    %dma_start3A_58 = arith.constant 0 : i32
    %dma_start3A_59 = tpu.memref_slice %arg4[%add3A_52, %dma_start3A_58] : memref<1638400x32xf32, #tpu.memory_space<hbm>> -> memref<512x32xf32, #tpu.memory_space<hbm>>
    %dma_start3A_60 = arith.constant 0 : i32
    %dma_start3A_61 = tpu.memref_slice %arg4[%add3A_52, %dma_start3A_60] : memref<1638400x32xf32, #tpu.memory_space<hbm>> -> memref<512x32xf32, #tpu.memory_space<hbm>>
    %dma_start3A_62 = arith.constant 0 : i32
    %dma_start3A_63 = arith.constant 0 : i32
    %dma_start3A_64 = tpu.memref_slice %arg6[%dma_start3A_53, %dma_start3A_62, %dma_start3A_63] : memref<4x512x32xf32, #tpu.memory_space<vmem>> -> memref<1x512x32xf32, #tpu.memory_space<vmem>>
    %dma_start3A_65 = tpu.memref_squeeze %dma_start3A_64 : memref<1x512x32xf32, #tpu.memory_space<vmem>> -> memref<512x32xf32, #tpu.memory_space<vmem>>
    tpu.enqueue_dma source(%dma_start3A_65 : memref<512x32xf32, #tpu.memory_space<vmem>>) target(%dma_start3A_61 : memref<512x32xf32, #tpu.memory_space<hbm>>) target_semaphore(%arg11 : memref<!tpu.dma_semaphore, #tpu.memory_space<semaphore_mem>>)
    %dma_wait3A_66 = arith.constant 1 : i32
    %dma_wait3A_67 = arith.constant 0 : i32
    %dma_wait3A_68 = arith.constant 0 : i32
    %dma_wait3A_69 = tpu.memref_slice %arg6[%dma_wait3A_66, %dma_wait3A_67, %dma_wait3A_68] : memref<4x512x32xf32, #tpu.memory_space<vmem>> -> memref<1x512x32xf32, #tpu.memory_space<vmem>>
    %dma_wait3A_70 = tpu.memref_squeeze %dma_wait3A_69 : memref<1x512x32xf32, #tpu.memory_space<vmem>> -> memref<512x32xf32, #tpu.memory_space<vmem>>
    %dma_wait3A_71 = arith.constant 512 : i32
    %dma_wait3A_72 = tpu.memref_slice %arg5[%dma_wait3A_71] : memref<51200xi32, #tpu.memory_space<vmem>> -> memref<512xi32, #tpu.memory_space<vmem>>
    %dma_wait3A_73 = arith.constant 0 : i32
    %dma_wait3A_74 = arith.constant 0 : i32
    %dma_wait3A_75 = tpu.memref_slice %arg3[%dma_wait3A_73, %dma_wait3A_74] : memref<1000000x32xf32, #tpu.memory_space<hbm>> -> memref<1000000x32xf32, #tpu.memory_space<hbm>>
    tpu.wait_indirect_dma semaphore(%arg8 : memref<!tpu.dma_semaphore, #tpu.memory_space<semaphore_mem>>) src(%dma_wait3A_75 : memref<1000000x32xf32, #tpu.memory_space<hbm>>) dst(%dma_wait3A_70 : memref<512x32xf32, #tpu.memory_space<vmem>>)
    %add3A_76 = arith.constant 512 : i32
    %add3A_77 = arith.addi %mul3A_2, %add3A_76 : i32
    %dma_start3A_78 = arith.constant 1 : i32
    %dma_start3A_79 = arith.constant 0 : i32
    %dma_start3A_80 = arith.constant 0 : i32
    %dma_start3A_81 = tpu.memref_slice %arg6[%dma_start3A_78, %dma_start3A_79, %dma_start3A_80] : memref<4x512x32xf32, #tpu.memory_space<vmem>> -> memref<1x512x32xf32, #tpu.memory_space<vmem>>
    %dma_start3A_82 = tpu.memref_squeeze %dma_start3A_81 : memref<1x512x32xf32, #tpu.memory_space<vmem>> -> memref<512x32xf32, #tpu.memory_space<vmem>>
    %dma_start3A_83 = arith.constant 0 : i32
    %dma_start3A_84 = tpu.memref_slice %arg4[%add3A_77, %dma_start3A_83] : memref<1638400x32xf32, #tpu.memory_space<hbm>> -> memref<512x32xf32, #tpu.memory_space<hbm>>
    %dma_start3A_85 = arith.constant 0 : i32
    %dma_start3A_86 = tpu.memref_slice %arg4[%add3A_77, %dma_start3A_85] : memref<1638400x32xf32, #tpu.memory_space<hbm>> -> memref<512x32xf32, #tpu.memory_space<hbm>>
    %dma_start3A_87 = arith.constant 0 : i32
    %dma_start3A_88 = arith.constant 0 : i32
    %dma_start3A_89 = tpu.memref_slice %arg6[%dma_start3A_78, %dma_start3A_87, %dma_start3A_88] : memref<4x512x32xf32, #tpu.memory_space<vmem>> -> memref<1x512x32xf32, #tpu.memory_space<vmem>>
    %dma_start3A_90 = tpu.memref_squeeze %dma_start3A_89 : memref<1x512x32xf32, #tpu.memory_space<vmem>> -> memref<512x32xf32, #tpu.memory_space<vmem>>
    tpu.enqueue_dma source(%dma_start3A_90 : memref<512x32xf32, #tpu.memory_space<vmem>>) target(%dma_start3A_86 : memref<512x32xf32, #tpu.memory_space<hbm>>) target_semaphore(%arg12 : memref<!tpu.dma_semaphore, #tpu.memory_space<semaphore_mem>>)
    %scan3A = arith.constant 0 : i32
    %scan3A_91 = arith.constant 1 : i32
    %scan3A_92 = arith.constant 24 : i32
    %scan3A_93 = arith.addi %scan3A_91, %scan3A_92 : i32
    %scan3A_94 = arith.constant 1 : i32
    scf.for %scan3A_206 = %scan3A_91 to %scan3A_93 step %scan3A_94  : i32 {
      %mul3A_207 = arith.constant 4 : i32
      %mul3A_208 = arith.muli %mul3A_207, %scan3A_206 : i32
      %add3A_209 = arith.constant 0 : i32
      %add3A_210 = arith.addi %mul3A_208, %add3A_209 : i32
      %sub3A = arith.constant 4 : i32
      %sub3A_211 = arith.subi %add3A_210, %sub3A : i32
      %mul3A_212 = arith.constant 512 : i32
      %mul3A_213 = arith.muli %sub3A_211, %mul3A_212 : i32
      %add3A_214 = arith.addi %mul3A_2, %mul3A_213 : i32
      %dma_wait3A_215 = arith.constant 0 : i32
      %dma_wait3A_216 = arith.constant 0 : i32
      %dma_wait3A_217 = arith.constant 0 : i32
      %dma_wait3A_218 = tpu.memref_slice %arg6[%dma_wait3A_215, %dma_wait3A_216, %dma_wait3A_217] : memref<4x512x32xf32, #tpu.memory_space<vmem>> -> memref<1x512x32xf32, #tpu.memory_space<vmem>>
      %dma_wait3A_219 = tpu.memref_squeeze %dma_wait3A_218 : memref<1x512x32xf32, #tpu.memory_space<vmem>> -> memref<512x32xf32, #tpu.memory_space<vmem>>
      %dma_wait3A_220 = arith.constant 0 : i32
      %dma_wait3A_221 = tpu.memref_slice %arg4[%add3A_214, %dma_wait3A_220] : memref<1638400x32xf32, #tpu.memory_space<hbm>> -> memref<512x32xf32, #tpu.memory_space<hbm>>
      %dma_wait3A_222 = arith.constant 0 : i32
      %dma_wait3A_223 = tpu.memref_slice %arg4[%add3A_214, %dma_wait3A_222] : memref<1638400x32xf32, #tpu.memory_space<hbm>> -> memref<512x32xf32, #tpu.memory_space<hbm>>
      %dma_wait3A_224 = arith.constant 0 : i32
      %dma_wait3A_225 = arith.constant 0 : i32
      %dma_wait3A_226 = tpu.memref_slice %arg6[%dma_wait3A_215, %dma_wait3A_224, %dma_wait3A_225] : memref<4x512x32xf32, #tpu.memory_space<vmem>> -> memref<1x512x32xf32, #tpu.memory_space<vmem>>
      %dma_wait3A_227 = tpu.memref_squeeze %dma_wait3A_226 : memref<1x512x32xf32, #tpu.memory_space<vmem>> -> memref<512x32xf32, #tpu.memory_space<vmem>>
      tpu.wait_dma2 semaphore(%arg11 : memref<!tpu.dma_semaphore, #tpu.memory_space<semaphore_mem>>) src(%dma_wait3A_227 : memref<512x32xf32, #tpu.memory_space<vmem>>) dst(%dma_wait3A_223 : memref<512x32xf32, #tpu.memory_space<hbm>>)
      %mul3A_228 = arith.constant 512 : i32
      %mul3A_229 = arith.muli %add3A_210, %mul3A_228 : i32
      %dma_start3A_230 = arith.constant 0 : i32
      %dma_start3A_231 = arith.constant 0 : i32
      %dma_start3A_232 = arith.constant 0 : i32
      %dma_start3A_233 = tpu.memref_slice %arg6[%dma_start3A_230, %dma_start3A_231, %dma_start3A_232] : memref<4x512x32xf32, #tpu.memory_space<vmem>> -> memref<1x512x32xf32, #tpu.memory_space<vmem>>
      %dma_start3A_234 = tpu.memref_squeeze %dma_start3A_233 : memref<1x512x32xf32, #tpu.memory_space<vmem>> -> memref<512x32xf32, #tpu.memory_space<vmem>>
      %dma_start3A_235 = tpu.memref_slice %arg5[%mul3A_229] : memref<51200xi32, #tpu.memory_space<vmem>> -> memref<512xi32, #tpu.memory_space<vmem>>
      %dma_start3A_236 = arith.constant 0 : i32
      %dma_start3A_237 = arith.constant 0 : i32
      %dma_start3A_238 = tpu.memref_slice %arg3[%dma_start3A_236, %dma_start3A_237] : memref<1000000x32xf32, #tpu.memory_space<hbm>> -> memref<1000000x32xf32, #tpu.memory_space<hbm>>
      tpu.enqueue_indirect_dma source(%dma_start3A_238 : memref<1000000x32xf32, #tpu.memory_space<hbm>>) target(%dma_start3A_234 : memref<512x32xf32, #tpu.memory_space<vmem>>) offsets(%dma_start3A_235 : memref<512xi32, #tpu.memory_space<vmem>>) semaphore(%arg7 : memref<!tpu.dma_semaphore, #tpu.memory_space<semaphore_mem>>)
      %sub3A_239 = arith.constant 2 : i32
      %sub3A_240 = arith.subi %add3A_210, %sub3A_239 : i32
      %mul3A_241 = arith.constant 512 : i32
      %mul3A_242 = arith.muli %sub3A_240, %mul3A_241 : i32
      %dma_wait3A_243 = arith.constant 2 : i32
      %dma_wait3A_244 = arith.constant 0 : i32
      %dma_wait3A_245 = arith.constant 0 : i32
      %dma_wait3A_246 = tpu.memref_slice %arg6[%dma_wait3A_243, %dma_wait3A_244, %dma_wait3A_245] : memref<4x512x32xf32, #tpu.memory_space<vmem>> -> memref<1x512x32xf32, #tpu.memory_space<vmem>>
      %dma_wait3A_247 = tpu.memref_squeeze %dma_wait3A_246 : memref<1x512x32xf32, #tpu.memory_space<vmem>> -> memref<512x32xf32, #tpu.memory_space<vmem>>
      %dma_wait3A_248 = tpu.memref_slice %arg5[%mul3A_242] : memref<51200xi32, #tpu.memory_space<vmem>> -> memref<512xi32, #tpu.memory_space<vmem>>
      %dma_wait3A_249 = arith.constant 0 : i32
      %dma_wait3A_250 = arith.constant 0 : i32
      %dma_wait3A_251 = tpu.memref_slice %arg3[%dma_wait3A_249, %dma_wait3A_250] : memref<1000000x32xf32, #tpu.memory_space<hbm>> -> memref<1000000x32xf32, #tpu.memory_space<hbm>>
      tpu.wait_indirect_dma semaphore(%arg9 : memref<!tpu.dma_semaphore, #tpu.memory_space<semaphore_mem>>) src(%dma_wait3A_251 : memref<1000000x32xf32, #tpu.memory_space<hbm>>) dst(%dma_wait3A_247 : memref<512x32xf32, #tpu.memory_space<vmem>>)
      %sub3A_252 = arith.constant 2 : i32
      %sub3A_253 = arith.subi %add3A_210, %sub3A_252 : i32
      %mul3A_254 = arith.constant 512 : i32
      %mul3A_255 = arith.muli %sub3A_253, %mul3A_254 : i32
      %add3A_256 = arith.addi %mul3A_2, %mul3A_255 : i32
      %dma_start3A_257 = arith.constant 2 : i32
      %dma_start3A_258 = arith.constant 0 : i32
      %dma_start3A_259 = arith.constant 0 : i32
      %dma_start3A_260 = tpu.memref_slice %arg6[%dma_start3A_257, %dma_start3A_258, %dma_start3A_259] : memref<4x512x32xf32, #tpu.memory_space<vmem>> -> memref<1x512x32xf32, #tpu.memory_space<vmem>>
      %dma_start3A_261 = tpu.memref_squeeze %dma_start3A_260 : memref<1x512x32xf32, #tpu.memory_space<vmem>> -> memref<512x32xf32, #tpu.memory_space<vmem>>
      %dma_start3A_262 = arith.constant 0 : i32
      %dma_start3A_263 = tpu.memref_slice %arg4[%add3A_256, %dma_start3A_262] : memref<1638400x32xf32, #tpu.memory_space<hbm>> -> memref<512x32xf32, #tpu.memory_space<hbm>>
      %dma_start3A_264 = arith.constant 0 : i32
      %dma_start3A_265 = tpu.memref_slice %arg4[%add3A_256, %dma_start3A_264] : memref<1638400x32xf32, #tpu.memory_space<hbm>> -> memref<512x32xf32, #tpu.memory_space<hbm>>
      %dma_start3A_266 = arith.constant 0 : i32
      %dma_start3A_267 = arith.constant 0 : i32
      %dma_start3A_268 = tpu.memref_slice %arg6[%dma_start3A_257, %dma_start3A_266, %dma_start3A_267] : memref<4x512x32xf32, #tpu.memory_space<vmem>> -> memref<1x512x32xf32, #tpu.memory_space<vmem>>
      %dma_start3A_269 = tpu.memref_squeeze %dma_start3A_268 : memref<1x512x32xf32, #tpu.memory_space<vmem>> -> memref<512x32xf32, #tpu.memory_space<vmem>>
      tpu.enqueue_dma source(%dma_start3A_269 : memref<512x32xf32, #tpu.memory_space<vmem>>) target(%dma_start3A_265 : memref<512x32xf32, #tpu.memory_space<hbm>>) target_semaphore(%arg13 : memref<!tpu.dma_semaphore, #tpu.memory_space<semaphore_mem>>)
      %add3A_270 = arith.constant 1 : i32
      %add3A_271 = arith.addi %mul3A_208, %add3A_270 : i32
      %sub3A_272 = arith.constant 4 : i32
      %sub3A_273 = arith.subi %add3A_271, %sub3A_272 : i32
      %mul3A_274 = arith.constant 512 : i32
      %mul3A_275 = arith.muli %sub3A_273, %mul3A_274 : i32
      %add3A_276 = arith.addi %mul3A_2, %mul3A_275 : i32
      %dma_wait3A_277 = arith.constant 1 : i32
      %dma_wait3A_278 = arith.constant 0 : i32
      %dma_wait3A_279 = arith.constant 0 : i32
      %dma_wait3A_280 = tpu.memref_slice %arg6[%dma_wait3A_277, %dma_wait3A_278, %dma_wait3A_279] : memref<4x512x32xf32, #tpu.memory_space<vmem>> -> memref<1x512x32xf32, #tpu.memory_space<vmem>>
      %dma_wait3A_281 = tpu.memref_squeeze %dma_wait3A_280 : memref<1x512x32xf32, #tpu.memory_space<vmem>> -> memref<512x32xf32, #tpu.memory_space<vmem>>
      %dma_wait3A_282 = arith.constant 0 : i32
      %dma_wait3A_283 = tpu.memref_slice %arg4[%add3A_276, %dma_wait3A_282] : memref<1638400x32xf32, #tpu.memory_space<hbm>> -> memref<512x32xf32, #tpu.memory_space<hbm>>
      %dma_wait3A_284 = arith.constant 0 : i32
      %dma_wait3A_285 = tpu.memref_slice %arg4[%add3A_276, %dma_wait3A_284] : memref<1638400x32xf32, #tpu.memory_space<hbm>> -> memref<512x32xf32, #tpu.memory_space<hbm>>
      %dma_wait3A_286 = arith.constant 0 : i32
      %dma_wait3A_287 = arith.constant 0 : i32
      %dma_wait3A_288 = tpu.memref_slice %arg6[%dma_wait3A_277, %dma_wait3A_286, %dma_wait3A_287] : memref<4x512x32xf32, #tpu.memory_space<vmem>> -> memref<1x512x32xf32, #tpu.memory_space<vmem>>
      %dma_wait3A_289 = tpu.memref_squeeze %dma_wait3A_288 : memref<1x512x32xf32, #tpu.memory_space<vmem>> -> memref<512x32xf32, #tpu.memory_space<vmem>>
      tpu.wait_dma2 semaphore(%arg12 : memref<!tpu.dma_semaphore, #tpu.memory_space<semaphore_mem>>) src(%dma_wait3A_289 : memref<512x32xf32, #tpu.memory_space<vmem>>) dst(%dma_wait3A_285 : memref<512x32xf32, #tpu.memory_space<hbm>>)
      %mul3A_290 = arith.constant 512 : i32
      %mul3A_291 = arith.muli %add3A_271, %mul3A_290 : i32
      %dma_start3A_292 = arith.constant 1 : i32
      %dma_start3A_293 = arith.constant 0 : i32
      %dma_start3A_294 = arith.constant 0 : i32
      %dma_start3A_295 = tpu.memref_slice %arg6[%dma_start3A_292, %dma_start3A_293, %dma_start3A_294] : memref<4x512x32xf32, #tpu.memory_space<vmem>> -> memref<1x512x32xf32, #tpu.memory_space<vmem>>
      %dma_start3A_296 = tpu.memref_squeeze %dma_start3A_295 : memref<1x512x32xf32, #tpu.memory_space<vmem>> -> memref<512x32xf32, #tpu.memory_space<vmem>>
      %dma_start3A_297 = tpu.memref_slice %arg5[%mul3A_291] : memref<51200xi32, #tpu.memory_space<vmem>> -> memref<512xi32, #tpu.memory_space<vmem>>
      %dma_start3A_298 = arith.constant 0 : i32
      %dma_start3A_299 = arith.constant 0 : i32
      %dma_start3A_300 = tpu.memref_slice %arg3[%dma_start3A_298, %dma_start3A_299] : memref<1000000x32xf32, #tpu.memory_space<hbm>> -> memref<1000000x32xf32, #tpu.memory_space<hbm>>
      tpu.enqueue_indirect_dma source(%dma_start3A_300 : memref<1000000x32xf32, #tpu.memory_space<hbm>>) target(%dma_start3A_296 : memref<512x32xf32, #tpu.memory_space<vmem>>) offsets(%dma_start3A_297 : memref<512xi32, #tpu.memory_space<vmem>>) semaphore(%arg8 : memref<!tpu.dma_semaphore, #tpu.memory_space<semaphore_mem>>)
      %sub3A_301 = arith.constant 2 : i32
      %sub3A_302 = arith.subi %add3A_271, %sub3A_301 : i32
      %mul3A_303 = arith.constant 512 : i32
      %mul3A_304 = arith.muli %sub3A_302, %mul3A_303 : i32
      %dma_wait3A_305 = arith.constant 3 : i32
      %dma_wait3A_306 = arith.constant 0 : i32
      %dma_wait3A_307 = arith.constant 0 : i32
      %dma_wait3A_308 = tpu.memref_slice %arg6[%dma_wait3A_305, %dma_wait3A_306, %dma_wait3A_307] : memref<4x512x32xf32, #tpu.memory_space<vmem>> -> memref<1x512x32xf32, #tpu.memory_space<vmem>>
      %dma_wait3A_309 = tpu.memref_squeeze %dma_wait3A_308 : memref<1x512x32xf32, #tpu.memory_space<vmem>> -> memref<512x32xf32, #tpu.memory_space<vmem>>
      %dma_wait3A_310 = tpu.memref_slice %arg5[%mul3A_304] : memref<51200xi32, #tpu.memory_space<vmem>> -> memref<512xi32, #tpu.memory_space<vmem>>
      %dma_wait3A_311 = arith.constant 0 : i32
      %dma_wait3A_312 = arith.constant 0 : i32
      %dma_wait3A_313 = tpu.memref_slice %arg3[%dma_wait3A_311, %dma_wait3A_312] : memref<1000000x32xf32, #tpu.memory_space<hbm>> -> memref<1000000x32xf32, #tpu.memory_space<hbm>>
      tpu.wait_indirect_dma semaphore(%arg10 : memref<!tpu.dma_semaphore, #tpu.memory_space<semaphore_mem>>) src(%dma_wait3A_313 : memref<1000000x32xf32, #tpu.memory_space<hbm>>) dst(%dma_wait3A_309 : memref<512x32xf32, #tpu.memory_space<vmem>>)
      %sub3A_314 = arith.constant 2 : i32
      %sub3A_315 = arith.subi %add3A_271, %sub3A_314 : i32
      %mul3A_316 = arith.constant 512 : i32
      %mul3A_317 = arith.muli %sub3A_315, %mul3A_316 : i32
      %add3A_318 = arith.addi %mul3A_2, %mul3A_317 : i32
      %dma_start3A_319 = arith.constant 3 : i32
      %dma_start3A_320 = arith.constant 0 : i32
      %dma_start3A_321 = arith.constant 0 : i32
      %dma_start3A_322 = tpu.memref_slice %arg6[%dma_start3A_319, %dma_start3A_320, %dma_start3A_321] : memref<4x512x32xf32, #tpu.memory_space<vmem>> -> memref<1x512x32xf32, #tpu.memory_space<vmem>>
      %dma_start3A_323 = tpu.memref_squeeze %dma_start3A_322 : memref<1x512x32xf32, #tpu.memory_space<vmem>> -> memref<512x32xf32, #tpu.memory_space<vmem>>
      %dma_start3A_324 = arith.constant 0 : i32
      %dma_start3A_325 = tpu.memref_slice %arg4[%add3A_318, %dma_start3A_324] : memref<1638400x32xf32, #tpu.memory_space<hbm>> -> memref<512x32xf32, #tpu.memory_space<hbm>>
      %dma_start3A_326 = arith.constant 0 : i32
      %dma_start3A_327 = tpu.memref_slice %arg4[%add3A_318, %dma_start3A_326] : memref<1638400x32xf32, #tpu.memory_space<hbm>> -> memref<512x32xf32, #tpu.memory_space<hbm>>
      %dma_start3A_328 = arith.constant 0 : i32
      %dma_start3A_329 = arith.constant 0 : i32
      %dma_start3A_330 = tpu.memref_slice %arg6[%dma_start3A_319, %dma_start3A_328, %dma_start3A_329] : memref<4x512x32xf32, #tpu.memory_space<vmem>> -> memref<1x512x32xf32, #tpu.memory_space<vmem>>
      %dma_start3A_331 = tpu.memref_squeeze %dma_start3A_330 : memref<1x512x32xf32, #tpu.memory_space<vmem>> -> memref<512x32xf32, #tpu.memory_space<vmem>>
      tpu.enqueue_dma source(%dma_start3A_331 : memref<512x32xf32, #tpu.memory_space<vmem>>) target(%dma_start3A_327 : memref<512x32xf32, #tpu.memory_space<hbm>>) target_semaphore(%arg14 : memref<!tpu.dma_semaphore, #tpu.memory_space<semaphore_mem>>)
      %add3A_332 = arith.constant 2 : i32
      %add3A_333 = arith.addi %mul3A_208, %add3A_332 : i32
      %sub3A_334 = arith.constant 4 : i32
      %sub3A_335 = arith.subi %add3A_333, %sub3A_334 : i32
      %mul3A_336 = arith.constant 512 : i32
      %mul3A_337 = arith.muli %sub3A_335, %mul3A_336 : i32
      %add3A_338 = arith.addi %mul3A_2, %mul3A_337 : i32
      %dma_wait3A_339 = arith.constant 2 : i32
      %dma_wait3A_340 = arith.constant 0 : i32
      %dma_wait3A_341 = arith.constant 0 : i32
      %dma_wait3A_342 = tpu.memref_slice %arg6[%dma_wait3A_339, %dma_wait3A_340, %dma_wait3A_341] : memref<4x512x32xf32, #tpu.memory_space<vmem>> -> memref<1x512x32xf32, #tpu.memory_space<vmem>>
      %dma_wait3A_343 = tpu.memref_squeeze %dma_wait3A_342 : memref<1x512x32xf32, #tpu.memory_space<vmem>> -> memref<512x32xf32, #tpu.memory_space<vmem>>
      %dma_wait3A_344 = arith.constant 0 : i32
      %dma_wait3A_345 = tpu.memref_slice %arg4[%add3A_338, %dma_wait3A_344] : memref<1638400x32xf32, #tpu.memory_space<hbm>> -> memref<512x32xf32, #tpu.memory_space<hbm>>
      %dma_wait3A_346 = arith.constant 0 : i32
      %dma_wait3A_347 = tpu.memref_slice %arg4[%add3A_338, %dma_wait3A_346] : memref<1638400x32xf32, #tpu.memory_space<hbm>> -> memref<512x32xf32, #tpu.memory_space<hbm>>
      %dma_wait3A_348 = arith.constant 0 : i32
      %dma_wait3A_349 = arith.constant 0 : i32
      %dma_wait3A_350 = tpu.memref_slice %arg6[%dma_wait3A_339, %dma_wait3A_348, %dma_wait3A_349] : memref<4x512x32xf32, #tpu.memory_space<vmem>> -> memref<1x512x32xf32, #tpu.memory_space<vmem>>
      %dma_wait3A_351 = tpu.memref_squeeze %dma_wait3A_350 : memref<1x512x32xf32, #tpu.memory_space<vmem>> -> memref<512x32xf32, #tpu.memory_space<vmem>>
      tpu.wait_dma2 semaphore(%arg13 : memref<!tpu.dma_semaphore, #tpu.memory_space<semaphore_mem>>) src(%dma_wait3A_351 : memref<512x32xf32, #tpu.memory_space<vmem>>) dst(%dma_wait3A_347 : memref<512x32xf32, #tpu.memory_space<hbm>>)
      %mul3A_352 = arith.constant 512 : i32
      %mul3A_353 = arith.muli %add3A_333, %mul3A_352 : i32
      %dma_start3A_354 = arith.constant 2 : i32
      %dma_start3A_355 = arith.constant 0 : i32
      %dma_start3A_356 = arith.constant 0 : i32
      %dma_start3A_357 = tpu.memref_slice %arg6[%dma_start3A_354, %dma_start3A_355, %dma_start3A_356] : memref<4x512x32xf32, #tpu.memory_space<vmem>> -> memref<1x512x32xf32, #tpu.memory_space<vmem>>
      %dma_start3A_358 = tpu.memref_squeeze %dma_start3A_357 : memref<1x512x32xf32, #tpu.memory_space<vmem>> -> memref<512x32xf32, #tpu.memory_space<vmem>>
      %dma_start3A_359 = tpu.memref_slice %arg5[%mul3A_353] : memref<51200xi32, #tpu.memory_space<vmem>> -> memref<512xi32, #tpu.memory_space<vmem>>
      %dma_start3A_360 = arith.constant 0 : i32
      %dma_start3A_361 = arith.constant 0 : i32
      %dma_start3A_362 = tpu.memref_slice %arg3[%dma_start3A_360, %dma_start3A_361] : memref<1000000x32xf32, #tpu.memory_space<hbm>> -> memref<1000000x32xf32, #tpu.memory_space<hbm>>
      tpu.enqueue_indirect_dma source(%dma_start3A_362 : memref<1000000x32xf32, #tpu.memory_space<hbm>>) target(%dma_start3A_358 : memref<512x32xf32, #tpu.memory_space<vmem>>) offsets(%dma_start3A_359 : memref<512xi32, #tpu.memory_space<vmem>>) semaphore(%arg9 : memref<!tpu.dma_semaphore, #tpu.memory_space<semaphore_mem>>)
      %sub3A_363 = arith.constant 2 : i32
      %sub3A_364 = arith.subi %add3A_333, %sub3A_363 : i32
      %mul3A_365 = arith.constant 512 : i32
      %mul3A_366 = arith.muli %sub3A_364, %mul3A_365 : i32
      %dma_wait3A_367 = arith.constant 0 : i32
      %dma_wait3A_368 = arith.constant 0 : i32
      %dma_wait3A_369 = arith.constant 0 : i32
      %dma_wait3A_370 = tpu.memref_slice %arg6[%dma_wait3A_367, %dma_wait3A_368, %dma_wait3A_369] : memref<4x512x32xf32, #tpu.memory_space<vmem>> -> memref<1x512x32xf32, #tpu.memory_space<vmem>>
      %dma_wait3A_371 = tpu.memref_squeeze %dma_wait3A_370 : memref<1x512x32xf32, #tpu.memory_space<vmem>> -> memref<512x32xf32, #tpu.memory_space<vmem>>
      %dma_wait3A_372 = tpu.memref_slice %arg5[%mul3A_366] : memref<51200xi32, #tpu.memory_space<vmem>> -> memref<512xi32, #tpu.memory_space<vmem>>
      %dma_wait3A_373 = arith.constant 0 : i32
      %dma_wait3A_374 = arith.constant 0 : i32
      %dma_wait3A_375 = tpu.memref_slice %arg3[%dma_wait3A_373, %dma_wait3A_374] : memref<1000000x32xf32, #tpu.memory_space<hbm>> -> memref<1000000x32xf32, #tpu.memory_space<hbm>>
      tpu.wait_indirect_dma semaphore(%arg7 : memref<!tpu.dma_semaphore, #tpu.memory_space<semaphore_mem>>) src(%dma_wait3A_375 : memref<1000000x32xf32, #tpu.memory_space<hbm>>) dst(%dma_wait3A_371 : memref<512x32xf32, #tpu.memory_space<vmem>>)
      %sub3A_376 = arith.constant 2 : i32
      %sub3A_377 = arith.subi %add3A_333, %sub3A_376 : i32
      %mul3A_378 = arith.constant 512 : i32
      %mul3A_379 = arith.muli %sub3A_377, %mul3A_378 : i32
      %add3A_380 = arith.addi %mul3A_2, %mul3A_379 : i32
      %dma_start3A_381 = arith.constant 0 : i32
      %dma_start3A_382 = arith.constant 0 : i32
      %dma_start3A_383 = arith.constant 0 : i32
      %dma_start3A_384 = tpu.memref_slice %arg6[%dma_start3A_381, %dma_start3A_382, %dma_start3A_383] : memref<4x512x32xf32, #tpu.memory_space<vmem>> -> memref<1x512x32xf32, #tpu.memory_space<vmem>>
      %dma_start3A_385 = tpu.memref_squeeze %dma_start3A_384 : memref<1x512x32xf32, #tpu.memory_space<vmem>> -> memref<512x32xf32, #tpu.memory_space<vmem>>
      %dma_start3A_386 = arith.constant 0 : i32
      %dma_start3A_387 = tpu.memref_slice %arg4[%add3A_380, %dma_start3A_386] : memref<1638400x32xf32, #tpu.memory_space<hbm>> -> memref<512x32xf32, #tpu.memory_space<hbm>>
      %dma_start3A_388 = arith.constant 0 : i32
      %dma_start3A_389 = tpu.memref_slice %arg4[%add3A_380, %dma_start3A_388] : memref<1638400x32xf32, #tpu.memory_space<hbm>> -> memref<512x32xf32, #tpu.memory_space<hbm>>
      %dma_start3A_390 = arith.constant 0 : i32
      %dma_start3A_391 = arith.constant 0 : i32
      %dma_start3A_392 = tpu.memref_slice %arg6[%dma_start3A_381, %dma_start3A_390, %dma_start3A_391] : memref<4x512x32xf32, #tpu.memory_space<vmem>> -> memref<1x512x32xf32, #tpu.memory_space<vmem>>
      %dma_start3A_393 = tpu.memref_squeeze %dma_start3A_392 : memref<1x512x32xf32, #tpu.memory_space<vmem>> -> memref<512x32xf32, #tpu.memory_space<vmem>>
      tpu.enqueue_dma source(%dma_start3A_393 : memref<512x32xf32, #tpu.memory_space<vmem>>) target(%dma_start3A_389 : memref<512x32xf32, #tpu.memory_space<hbm>>) target_semaphore(%arg11 : memref<!tpu.dma_semaphore, #tpu.memory_space<semaphore_mem>>)
      %add3A_394 = arith.constant 3 : i32
      %add3A_395 = arith.addi %mul3A_208, %add3A_394 : i32
      %sub3A_396 = arith.constant 4 : i32
      %sub3A_397 = arith.subi %add3A_395, %sub3A_396 : i32
      %mul3A_398 = arith.constant 512 : i32
      %mul3A_399 = arith.muli %sub3A_397, %mul3A_398 : i32
      %add3A_400 = arith.addi %mul3A_2, %mul3A_399 : i32
      %dma_wait3A_401 = arith.constant 3 : i32
      %dma_wait3A_402 = arith.constant 0 : i32
      %dma_wait3A_403 = arith.constant 0 : i32
      %dma_wait3A_404 = tpu.memref_slice %arg6[%dma_wait3A_401, %dma_wait3A_402, %dma_wait3A_403] : memref<4x512x32xf32, #tpu.memory_space<vmem>> -> memref<1x512x32xf32, #tpu.memory_space<vmem>>
      %dma_wait3A_405 = tpu.memref_squeeze %dma_wait3A_404 : memref<1x512x32xf32, #tpu.memory_space<vmem>> -> memref<512x32xf32, #tpu.memory_space<vmem>>
      %dma_wait3A_406 = arith.constant 0 : i32
      %dma_wait3A_407 = tpu.memref_slice %arg4[%add3A_400, %dma_wait3A_406] : memref<1638400x32xf32, #tpu.memory_space<hbm>> -> memref<512x32xf32, #tpu.memory_space<hbm>>
      %dma_wait3A_408 = arith.constant 0 : i32
      %dma_wait3A_409 = tpu.memref_slice %arg4[%add3A_400, %dma_wait3A_408] : memref<1638400x32xf32, #tpu.memory_space<hbm>> -> memref<512x32xf32, #tpu.memory_space<hbm>>
      %dma_wait3A_410 = arith.constant 0 : i32
      %dma_wait3A_411 = arith.constant 0 : i32
      %dma_wait3A_412 = tpu.memref_slice %arg6[%dma_wait3A_401, %dma_wait3A_410, %dma_wait3A_411] : memref<4x512x32xf32, #tpu.memory_space<vmem>> -> memref<1x512x32xf32, #tpu.memory_space<vmem>>
      %dma_wait3A_413 = tpu.memref_squeeze %dma_wait3A_412 : memref<1x512x32xf32, #tpu.memory_space<vmem>> -> memref<512x32xf32, #tpu.memory_space<vmem>>
      tpu.wait_dma2 semaphore(%arg14 : memref<!tpu.dma_semaphore, #tpu.memory_space<semaphore_mem>>) src(%dma_wait3A_413 : memref<512x32xf32, #tpu.memory_space<vmem>>) dst(%dma_wait3A_409 : memref<512x32xf32, #tpu.memory_space<hbm>>)
      %mul3A_414 = arith.constant 512 : i32
      %mul3A_415 = arith.muli %add3A_395, %mul3A_414 : i32
      %dma_start3A_416 = arith.constant 3 : i32
      %dma_start3A_417 = arith.constant 0 : i32
      %dma_start3A_418 = arith.constant 0 : i32
      %dma_start3A_419 = tpu.memref_slice %arg6[%dma_start3A_416, %dma_start3A_417, %dma_start3A_418] : memref<4x512x32xf32, #tpu.memory_space<vmem>> -> memref<1x512x32xf32, #tpu.memory_space<vmem>>
      %dma_start3A_420 = tpu.memref_squeeze %dma_start3A_419 : memref<1x512x32xf32, #tpu.memory_space<vmem>> -> memref<512x32xf32, #tpu.memory_space<vmem>>
      %dma_start3A_421 = tpu.memref_slice %arg5[%mul3A_415] : memref<51200xi32, #tpu.memory_space<vmem>> -> memref<512xi32, #tpu.memory_space<vmem>>
      %dma_start3A_422 = arith.constant 0 : i32
      %dma_start3A_423 = arith.constant 0 : i32
      %dma_start3A_424 = tpu.memref_slice %arg3[%dma_start3A_422, %dma_start3A_423] : memref<1000000x32xf32, #tpu.memory_space<hbm>> -> memref<1000000x32xf32, #tpu.memory_space<hbm>>
      tpu.enqueue_indirect_dma source(%dma_start3A_424 : memref<1000000x32xf32, #tpu.memory_space<hbm>>) target(%dma_start3A_420 : memref<512x32xf32, #tpu.memory_space<vmem>>) offsets(%dma_start3A_421 : memref<512xi32, #tpu.memory_space<vmem>>) semaphore(%arg10 : memref<!tpu.dma_semaphore, #tpu.memory_space<semaphore_mem>>)
      %sub3A_425 = arith.constant 2 : i32
      %sub3A_426 = arith.subi %add3A_395, %sub3A_425 : i32
      %mul3A_427 = arith.constant 512 : i32
      %mul3A_428 = arith.muli %sub3A_426, %mul3A_427 : i32
      %dma_wait3A_429 = arith.constant 1 : i32
      %dma_wait3A_430 = arith.constant 0 : i32
      %dma_wait3A_431 = arith.constant 0 : i32
      %dma_wait3A_432 = tpu.memref_slice %arg6[%dma_wait3A_429, %dma_wait3A_430, %dma_wait3A_431] : memref<4x512x32xf32, #tpu.memory_space<vmem>> -> memref<1x512x32xf32, #tpu.memory_space<vmem>>
      %dma_wait3A_433 = tpu.memref_squeeze %dma_wait3A_432 : memref<1x512x32xf32, #tpu.memory_space<vmem>> -> memref<512x32xf32, #tpu.memory_space<vmem>>
      %dma_wait3A_434 = tpu.memref_slice %arg5[%mul3A_428] : memref<51200xi32, #tpu.memory_space<vmem>> -> memref<512xi32, #tpu.memory_space<vmem>>
      %dma_wait3A_435 = arith.constant 0 : i32
      %dma_wait3A_436 = arith.constant 0 : i32
      %dma_wait3A_437 = tpu.memref_slice %arg3[%dma_wait3A_435, %dma_wait3A_436] : memref<1000000x32xf32, #tpu.memory_space<hbm>> -> memref<1000000x32xf32, #tpu.memory_space<hbm>>
      tpu.wait_indirect_dma semaphore(%arg8 : memref<!tpu.dma_semaphore, #tpu.memory_space<semaphore_mem>>) src(%dma_wait3A_437 : memref<1000000x32xf32, #tpu.memory_space<hbm>>) dst(%dma_wait3A_433 : memref<512x32xf32, #tpu.memory_space<vmem>>)
      %sub3A_438 = arith.constant 2 : i32
      %sub3A_439 = arith.subi %add3A_395, %sub3A_438 : i32
      %mul3A_440 = arith.constant 512 : i32
      %mul3A_441 = arith.muli %sub3A_439, %mul3A_440 : i32
      %add3A_442 = arith.addi %mul3A_2, %mul3A_441 : i32
      %dma_start3A_443 = arith.constant 1 : i32
      %dma_start3A_444 = arith.constant 0 : i32
      %dma_start3A_445 = arith.constant 0 : i32
      %dma_start3A_446 = tpu.memref_slice %arg6[%dma_start3A_443, %dma_start3A_444, %dma_start3A_445] : memref<4x512x32xf32, #tpu.memory_space<vmem>> -> memref<1x512x32xf32, #tpu.memory_space<vmem>>
      %dma_start3A_447 = tpu.memref_squeeze %dma_start3A_446 : memref<1x512x32xf32, #tpu.memory_space<vmem>> -> memref<512x32xf32, #tpu.memory_space<vmem>>
      %dma_start3A_448 = arith.constant 0 : i32
      %dma_start3A_449 = tpu.memref_slice %arg4[%add3A_442, %dma_start3A_448] : memref<1638400x32xf32, #tpu.memory_space<hbm>> -> memref<512x32xf32, #tpu.memory_space<hbm>>
      %dma_start3A_450 = arith.constant 0 : i32
      %dma_start3A_451 = tpu.memref_slice %arg4[%add3A_442, %dma_start3A_450] : memref<1638400x32xf32, #tpu.memory_space<hbm>> -> memref<512x32xf32, #tpu.memory_space<hbm>>
      %dma_start3A_452 = arith.constant 0 : i32
      %dma_start3A_453 = arith.constant 0 : i32
      %dma_start3A_454 = tpu.memref_slice %arg6[%dma_start3A_443, %dma_start3A_452, %dma_start3A_453] : memref<4x512x32xf32, #tpu.memory_space<vmem>> -> memref<1x512x32xf32, #tpu.memory_space<vmem>>
      %dma_start3A_455 = tpu.memref_squeeze %dma_start3A_454 : memref<1x512x32xf32, #tpu.memory_space<vmem>> -> memref<512x32xf32, #tpu.memory_space<vmem>>
      tpu.enqueue_dma source(%dma_start3A_455 : memref<512x32xf32, #tpu.memory_space<vmem>>) target(%dma_start3A_451 : memref<512x32xf32, #tpu.memory_space<hbm>>) target_semaphore(%arg12 : memref<!tpu.dma_semaphore, #tpu.memory_space<semaphore_mem>>)
    }
    %scan3A_95 = arith.constant 24 : i32
    %dma_wait3A_96 = arith.constant 2 : i32
    %dma_wait3A_97 = arith.constant 0 : i32
    %dma_wait3A_98 = arith.constant 0 : i32
    %dma_wait3A_99 = tpu.memref_slice %arg6[%dma_wait3A_96, %dma_wait3A_97, %dma_wait3A_98] : memref<4x512x32xf32, #tpu.memory_space<vmem>> -> memref<1x512x32xf32, #tpu.memory_space<vmem>>
    %dma_wait3A_100 = tpu.memref_squeeze %dma_wait3A_99 : memref<1x512x32xf32, #tpu.memory_space<vmem>> -> memref<512x32xf32, #tpu.memory_space<vmem>>
    %dma_wait3A_101 = arith.constant 50176 : i32
    %dma_wait3A_102 = tpu.memref_slice %arg5[%dma_wait3A_101] : memref<51200xi32, #tpu.memory_space<vmem>> -> memref<512xi32, #tpu.memory_space<vmem>>
    %dma_wait3A_103 = arith.constant 0 : i32
    %dma_wait3A_104 = arith.constant 0 : i32
    %dma_wait3A_105 = tpu.memref_slice %arg3[%dma_wait3A_103, %dma_wait3A_104] : memref<1000000x32xf32, #tpu.memory_space<hbm>> -> memref<1000000x32xf32, #tpu.memory_space<hbm>>
    tpu.wait_indirect_dma semaphore(%arg9 : memref<!tpu.dma_semaphore, #tpu.memory_space<semaphore_mem>>) src(%dma_wait3A_105 : memref<1000000x32xf32, #tpu.memory_space<hbm>>) dst(%dma_wait3A_100 : memref<512x32xf32, #tpu.memory_space<vmem>>)
    %add3A_106 = arith.constant 50176 : i32
    %add3A_107 = arith.addi %mul3A_2, %add3A_106 : i32
    %dma_start3A_108 = arith.constant 2 : i32
    %dma_start3A_109 = arith.constant 0 : i32
    %dma_start3A_110 = arith.constant 0 : i32
    %dma_start3A_111 = tpu.memref_slice %arg6[%dma_start3A_108, %dma_start3A_109, %dma_start3A_110] : memref<4x512x32xf32, #tpu.memory_space<vmem>> -> memref<1x512x32xf32, #tpu.memory_space<vmem>>
    %dma_start3A_112 = tpu.memref_squeeze %dma_start3A_111 : memref<1x512x32xf32, #tpu.memory_space<vmem>> -> memref<512x32xf32, #tpu.memory_space<vmem>>
    %dma_start3A_113 = arith.constant 0 : i32
    %dma_start3A_114 = tpu.memref_slice %arg4[%add3A_107, %dma_start3A_113] : memref<1638400x32xf32, #tpu.memory_space<hbm>> -> memref<512x32xf32, #tpu.memory_space<hbm>>
    %dma_start3A_115 = arith.constant 0 : i32
    %dma_start3A_116 = tpu.memref_slice %arg4[%add3A_107, %dma_start3A_115] : memref<1638400x32xf32, #tpu.memory_space<hbm>> -> memref<512x32xf32, #tpu.memory_space<hbm>>
    %dma_start3A_117 = arith.constant 0 : i32
    %dma_start3A_118 = arith.constant 0 : i32
    %dma_start3A_119 = tpu.memref_slice %arg6[%dma_start3A_108, %dma_start3A_117, %dma_start3A_118] : memref<4x512x32xf32, #tpu.memory_space<vmem>> -> memref<1x512x32xf32, #tpu.memory_space<vmem>>
    %dma_start3A_120 = tpu.memref_squeeze %dma_start3A_119 : memref<1x512x32xf32, #tpu.memory_space<vmem>> -> memref<512x32xf32, #tpu.memory_space<vmem>>
    tpu.enqueue_dma source(%dma_start3A_120 : memref<512x32xf32, #tpu.memory_space<vmem>>) target(%dma_start3A_116 : memref<512x32xf32, #tpu.memory_space<hbm>>) target_semaphore(%arg13 : memref<!tpu.dma_semaphore, #tpu.memory_space<semaphore_mem>>)
    %dma_wait3A_121 = arith.constant 3 : i32
    %dma_wait3A_122 = arith.constant 0 : i32
    %dma_wait3A_123 = arith.constant 0 : i32
    %dma_wait3A_124 = tpu.memref_slice %arg6[%dma_wait3A_121, %dma_wait3A_122, %dma_wait3A_123] : memref<4x512x32xf32, #tpu.memory_space<vmem>> -> memref<1x512x32xf32, #tpu.memory_space<vmem>>
    %dma_wait3A_125 = tpu.memref_squeeze %dma_wait3A_124 : memref<1x512x32xf32, #tpu.memory_space<vmem>> -> memref<512x32xf32, #tpu.memory_space<vmem>>
    %dma_wait3A_126 = arith.constant 50688 : i32
    %dma_wait3A_127 = tpu.memref_slice %arg5[%dma_wait3A_126] : memref<51200xi32, #tpu.memory_space<vmem>> -> memref<512xi32, #tpu.memory_space<vmem>>
    %dma_wait3A_128 = arith.constant 0 : i32
    %dma_wait3A_129 = arith.constant 0 : i32
    %dma_wait3A_130 = tpu.memref_slice %arg3[%dma_wait3A_128, %dma_wait3A_129] : memref<1000000x32xf32, #tpu.memory_space<hbm>> -> memref<1000000x32xf32, #tpu.memory_space<hbm>>
    tpu.wait_indirect_dma semaphore(%arg10 : memref<!tpu.dma_semaphore, #tpu.memory_space<semaphore_mem>>) src(%dma_wait3A_130 : memref<1000000x32xf32, #tpu.memory_space<hbm>>) dst(%dma_wait3A_125 : memref<512x32xf32, #tpu.memory_space<vmem>>)
    %add3A_131 = arith.constant 50688 : i32
    %add3A_132 = arith.addi %mul3A_2, %add3A_131 : i32
    %dma_start3A_133 = arith.constant 3 : i32
    %dma_start3A_134 = arith.constant 0 : i32
    %dma_start3A_135 = arith.constant 0 : i32
    %dma_start3A_136 = tpu.memref_slice %arg6[%dma_start3A_133, %dma_start3A_134, %dma_start3A_135] : memref<4x512x32xf32, #tpu.memory_space<vmem>> -> memref<1x512x32xf32, #tpu.memory_space<vmem>>
    %dma_start3A_137 = tpu.memref_squeeze %dma_start3A_136 : memref<1x512x32xf32, #tpu.memory_space<vmem>> -> memref<512x32xf32, #tpu.memory_space<vmem>>
    %dma_start3A_138 = arith.constant 0 : i32
    %dma_start3A_139 = tpu.memref_slice %arg4[%add3A_132, %dma_start3A_138] : memref<1638400x32xf32, #tpu.memory_space<hbm>> -> memref<512x32xf32, #tpu.memory_space<hbm>>
    %dma_start3A_140 = arith.constant 0 : i32
    %dma_start3A_141 = tpu.memref_slice %arg4[%add3A_132, %dma_start3A_140] : memref<1638400x32xf32, #tpu.memory_space<hbm>> -> memref<512x32xf32, #tpu.memory_space<hbm>>
    %dma_start3A_142 = arith.constant 0 : i32
    %dma_start3A_143 = arith.constant 0 : i32
    %dma_start3A_144 = tpu.memref_slice %arg6[%dma_start3A_133, %dma_start3A_142, %dma_start3A_143] : memref<4x512x32xf32, #tpu.memory_space<vmem>> -> memref<1x512x32xf32, #tpu.memory_space<vmem>>
    %dma_start3A_145 = tpu.memref_squeeze %dma_start3A_144 : memref<1x512x32xf32, #tpu.memory_space<vmem>> -> memref<512x32xf32, #tpu.memory_space<vmem>>
    tpu.enqueue_dma source(%dma_start3A_145 : memref<512x32xf32, #tpu.memory_space<vmem>>) target(%dma_start3A_141 : memref<512x32xf32, #tpu.memory_space<hbm>>) target_semaphore(%arg14 : memref<!tpu.dma_semaphore, #tpu.memory_space<semaphore_mem>>)
    %add3A_146 = arith.constant 49152 : i32
    %add3A_147 = arith.addi %mul3A_2, %add3A_146 : i32
    %dma_wait3A_148 = arith.constant 0 : i32
    %dma_wait3A_149 = arith.constant 0 : i32
    %dma_wait3A_150 = arith.constant 0 : i32
    %dma_wait3A_151 = tpu.memref_slice %arg6[%dma_wait3A_148, %dma_wait3A_149, %dma_wait3A_150] : memref<4x512x32xf32, #tpu.memory_space<vmem>> -> memref<1x512x32xf32, #tpu.memory_space<vmem>>
    %dma_wait3A_152 = tpu.memref_squeeze %dma_wait3A_151 : memref<1x512x32xf32, #tpu.memory_space<vmem>> -> memref<512x32xf32, #tpu.memory_space<vmem>>
    %dma_wait3A_153 = arith.constant 0 : i32
    %dma_wait3A_154 = tpu.memref_slice %arg4[%add3A_147, %dma_wait3A_153] : memref<1638400x32xf32, #tpu.memory_space<hbm>> -> memref<512x32xf32, #tpu.memory_space<hbm>>
    %dma_wait3A_155 = arith.constant 0 : i32
    %dma_wait3A_156 = tpu.memref_slice %arg4[%add3A_147, %dma_wait3A_155] : memref<1638400x32xf32, #tpu.memory_space<hbm>> -> memref<512x32xf32, #tpu.memory_space<hbm>>
    %dma_wait3A_157 = arith.constant 0 : i32
    %dma_wait3A_158 = arith.constant 0 : i32
    %dma_wait3A_159 = tpu.memref_slice %arg6[%dma_wait3A_148, %dma_wait3A_157, %dma_wait3A_158] : memref<4x512x32xf32, #tpu.memory_space<vmem>> -> memref<1x512x32xf32, #tpu.memory_space<vmem>>
    %dma_wait3A_160 = tpu.memref_squeeze %dma_wait3A_159 : memref<1x512x32xf32, #tpu.memory_space<vmem>> -> memref<512x32xf32, #tpu.memory_space<vmem>>
    tpu.wait_dma2 semaphore(%arg11 : memref<!tpu.dma_semaphore, #tpu.memory_space<semaphore_mem>>) src(%dma_wait3A_160 : memref<512x32xf32, #tpu.memory_space<vmem>>) dst(%dma_wait3A_156 : memref<512x32xf32, #tpu.memory_space<hbm>>)
    %add3A_161 = arith.constant 49664 : i32
    %add3A_162 = arith.addi %mul3A_2, %add3A_161 : i32
    %dma_wait3A_163 = arith.constant 1 : i32
    %dma_wait3A_164 = arith.constant 0 : i32
    %dma_wait3A_165 = arith.constant 0 : i32
    %dma_wait3A_166 = tpu.memref_slice %arg6[%dma_wait3A_163, %dma_wait3A_164, %dma_wait3A_165] : memref<4x512x32xf32, #tpu.memory_space<vmem>> -> memref<1x512x32xf32, #tpu.memory_space<vmem>>
    %dma_wait3A_167 = tpu.memref_squeeze %dma_wait3A_166 : memref<1x512x32xf32, #tpu.memory_space<vmem>> -> memref<512x32xf32, #tpu.memory_space<vmem>>
    %dma_wait3A_168 = arith.constant 0 : i32
    %dma_wait3A_169 = tpu.memref_slice %arg4[%add3A_162, %dma_wait3A_168] : memref<1638400x32xf32, #tpu.memory_space<hbm>> -> memref<512x32xf32, #tpu.memory_space<hbm>>
    %dma_wait3A_170 = arith.constant 0 : i32
    %dma_wait3A_171 = tpu.memref_slice %arg4[%add3A_162, %dma_wait3A_170] : memref<1638400x32xf32, #tpu.memory_space<hbm>> -> memref<512x32xf32, #tpu.memory_space<hbm>>
    %dma_wait3A_172 = arith.constant 0 : i32
    %dma_wait3A_173 = arith.constant 0 : i32
    %dma_wait3A_174 = tpu.memref_slice %arg6[%dma_wait3A_163, %dma_wait3A_172, %dma_wait3A_173] : memref<4x512x32xf32, #tpu.memory_space<vmem>> -> memref<1x512x32xf32, #tpu.memory_space<vmem>>
    %dma_wait3A_175 = tpu.memref_squeeze %dma_wait3A_174 : memref<1x512x32xf32, #tpu.memory_space<vmem>> -> memref<512x32xf32, #tpu.memory_space<vmem>>
    tpu.wait_dma2 semaphore(%arg12 : memref<!tpu.dma_semaphore, #tpu.memory_space<semaphore_mem>>) src(%dma_wait3A_175 : memref<512x32xf32, #tpu.memory_space<vmem>>) dst(%dma_wait3A_171 : memref<512x32xf32, #tpu.memory_space<hbm>>)
    %add3A_176 = arith.constant 50176 : i32
    %add3A_177 = arith.addi %mul3A_2, %add3A_176 : i32
    %dma_wait3A_178 = arith.constant 2 : i32
    %dma_wait3A_179 = arith.constant 0 : i32
    %dma_wait3A_180 = arith.constant 0 : i32
    %dma_wait3A_181 = tpu.memref_slice %arg6[%dma_wait3A_178, %dma_wait3A_179, %dma_wait3A_180] : memref<4x512x32xf32, #tpu.memory_space<vmem>> -> memref<1x512x32xf32, #tpu.memory_space<vmem>>
    %dma_wait3A_182 = tpu.memref_squeeze %dma_wait3A_181 : memref<1x512x32xf32, #tpu.memory_space<vmem>> -> memref<512x32xf32, #tpu.memory_space<vmem>>
    %dma_wait3A_183 = arith.constant 0 : i32
    %dma_wait3A_184 = tpu.memref_slice %arg4[%add3A_177, %dma_wait3A_183] : memref<1638400x32xf32, #tpu.memory_space<hbm>> -> memref<512x32xf32, #tpu.memory_space<hbm>>
    %dma_wait3A_185 = arith.constant 0 : i32
    %dma_wait3A_186 = tpu.memref_slice %arg4[%add3A_177, %dma_wait3A_185] : memref<1638400x32xf32, #tpu.memory_space<hbm>> -> memref<512x32xf32, #tpu.memory_space<hbm>>
    %dma_wait3A_187 = arith.constant 0 : i32
    %dma_wait3A_188 = arith.constant 0 : i32
    %dma_wait3A_189 = tpu.memref_slice %arg6[%dma_wait3A_178, %dma_wait3A_187, %dma_wait3A_188] : memref<4x512x32xf32, #tpu.memory_space<vmem>> -> memref<1x512x32xf32, #tpu.memory_space<vmem>>
    %dma_wait3A_190 = tpu.memref_squeeze %dma_wait3A_189 : memref<1x512x32xf32, #tpu.memory_space<vmem>> -> memref<512x32xf32, #tpu.memory_space<vmem>>
    tpu.wait_dma2 semaphore(%arg13 : memref<!tpu.dma_semaphore, #tpu.memory_space<semaphore_mem>>) src(%dma_wait3A_190 : memref<512x32xf32, #tpu.memory_space<vmem>>) dst(%dma_wait3A_186 : memref<512x32xf32, #tpu.memory_space<hbm>>)
    %add3A_191 = arith.constant 50688 : i32
    %add3A_192 = arith.addi %mul3A_2, %add3A_191 : i32
    %dma_wait3A_193 = arith.constant 3 : i32
    %dma_wait3A_194 = arith.constant 0 : i32
    %dma_wait3A_195 = arith.constant 0 : i32
    %dma_wait3A_196 = tpu.memref_slice %arg6[%dma_wait3A_193, %dma_wait3A_194, %dma_wait3A_195] : memref<4x512x32xf32, #tpu.memory_space<vmem>> -> memref<1x512x32xf32, #tpu.memory_space<vmem>>
    %dma_wait3A_197 = tpu.memref_squeeze %dma_wait3A_196 : memref<1x512x32xf32, #tpu.memory_space<vmem>> -> memref<512x32xf32, #tpu.memory_space<vmem>>
    %dma_wait3A_198 = arith.constant 0 : i32
    %dma_wait3A_199 = tpu.memref_slice %arg4[%add3A_192, %dma_wait3A_198] : memref<1638400x32xf32, #tpu.memory_space<hbm>> -> memref<512x32xf32, #tpu.memory_space<hbm>>
    %dma_wait3A_200 = arith.constant 0 : i32
    %dma_wait3A_201 = tpu.memref_slice %arg4[%add3A_192, %dma_wait3A_200] : memref<1638400x32xf32, #tpu.memory_space<hbm>> -> memref<512x32xf32, #tpu.memory_space<hbm>>
    %dma_wait3A_202 = arith.constant 0 : i32
    %dma_wait3A_203 = arith.constant 0 : i32
    %dma_wait3A_204 = tpu.memref_slice %arg6[%dma_wait3A_193, %dma_wait3A_202, %dma_wait3A_203] : memref<4x512x32xf32, #tpu.memory_space<vmem>> -> memref<1x512x32xf32, #tpu.memory_space<vmem>>
    %dma_wait3A_205 = tpu.memref_squeeze %dma_wait3A_204 : memref<1x512x32xf32, #tpu.memory_space<vmem>> -> memref<512x32xf32, #tpu.memory_space<vmem>>
    tpu.wait_dma2 semaphore(%arg14 : memref<!tpu.dma_semaphore, #tpu.memory_space<semaphore_mem>>) src(%dma_wait3A_205 : memref<512x32xf32, #tpu.memory_space<vmem>>) dst(%dma_wait3A_201 : memref<512x32xf32, #tpu.memory_space<hbm>>)
    return
  }
}

</mosaic_0001>

<sc_bundles>
// kernel: kernel.3.cloned.1.call-start
scs
__scs_entry_jumppad:
0x0: {  	(pc) =	sbr.rel $0x88, $3  }
0x1: {  	(tag) =	ssettag $0x0;
	lr =	simm.s32 $0x1  }
0x2: {  	[smem:$0x3F9F] =	sst lr;
	_ =	strace $0xD0000000  }
0x3: {  	_ = 	snop  }
0x4: {  	_ = 	snop  }
0x5: {  	_ = 	snop  }
0x6: {  	_ = 	snop  }
0x7: {  	_ = 	snop  }
__scs_overlays_trampoline_lowered:
0x8: {  	[smem:$0x3FAE] =	sst s0  }
0x9: {  	[smem:$0x3FAF] =	sst s1  }
0xa: {  	[smem:$0x3FB0] =	sst s2  }
0xb: {  	[smem:$0x3FB1] =	sst s3  }
0xc: {  	[smem:$0x3FB2] =	sst s4  }
0xd: {  	[smem:$0x3FB3] =	sst s5  }
0xe: {  	[smem:$0x3FB4] =	sst s6  }
0xf: {  	[smem:$0x3FB5] =	sst s7  }
0x10: {  	[smem:$0x3FB6] =	sst s8  }
0x11: {  	[smem:$0x3FB7] =	sst s9;
	s0 =	simm.s32 @!p0 $0x0  }
0x12: {  	s1 =	sld [smem:$0x3F9D];
	s0 =	simm.s32 @p0 $0x1  }
0x13: {  	[smem:$0x3FB8] =	sst s0;
	s0 =	simm.s32 @!p1 $0x0  }
0x14: {  	s2 =	sld [smem:$0x3F9C];
	s0 =	simm.s32 @p1 $0x1  }
0x15: {  	[smem:$0x3FB9] =	sst s0;
	s0 =	simm.s32 @!p2 $0x0  }
0x16: {  	s3 =	sld [smem:$0x3FDB];
	s0 =	simm.s32 @p2 $0x1  }
0x17: {  	s4 =	simm.s32 $0x1BF5;
	[smem:$0x3FBB] =	sst s0  }
0x18: {  	s0 =	sld [smem:$0x3F9E];
	_ =	swait.ge [sflag:s4], $0x0  }
0x19: {  	s7 =	sld [smem:$0x3F9F]  }
0x1a: {  	s8 =	sadd.s32 $0xFFFFE003, lr  }
0x1b: {  	s9 =	sadd.s32 $0xFFFFFEF7, lr;
	s5 =	simm.s32 $0xFFFFFFFF;
	p2 =	slt.u32 s8, $0xFFFFF086  }
0x1c: {  	p1 =	slt.u32 s9, $0xF7A;
	s5 =	simm.s32 @!p2 $0x0  }
0x1d: {  	s5 =	simm.s32 @p1 $0x1;
	p0 =	seq.s32 s7, s2  }
0x1e: {  	s7 =	smul.u32 @!p0 $0xF7A, s2;
	p2 =	seq.s32 @!p0 s5, $0x0  }
0x1f: {  	s9 =	smul.u32 $0xF7A, s1;
	s8 =	simm.s32 @!p0 $0x1BF5;
	p2 =	por !p2, p0  }
0x20: {  	[sflag:s8] =	ssyncset.s32 @!p0 $0xFFFFF086;
	s6 =	sadd.s32 @!p0 s3, s7;
	s7 =	simm.s32 @!p0 $0x108  }
0x21: {  	s3 =	sadd.s32 s3, s9;
	s6 =	sadd.s32 @!p0 $0x88, s6;
	s7 =	simm.s32 @p2 $0x1082  }
0x22: {  	[simem:s7], [sflag:s8] =	dma.local @!p0 [hbm:s6], $0xF7A  }
0x23: {  	s9 =	sor.u32 $0xD0000000, s2;
	s6 =	simm.s32 $0x108;
	_ =	swait.ge @!p0 [sflag:s8], $0x0  }
0x24: {  	s3 =	sadd.s32 $0x88, s3;
	s6 =	simm.s32 @!p1 $0x1082;
	[sflag:s4] =	ssyncset.s32 $0xFFFFF086  }
0x25: {  	[simem:s6], [sflag:s4] =	dma.local [hbm:s3], $0xF7A  }
0x26: {  	[smem:$0x3F9F] =	sst s1;
	(tag) =	ssettag s2;
	_ =	strace s9  }
0x27: {  	s1 =	sld [smem:$0x3FAF]  }
0x28: {  	s2 =	sld [smem:$0x3FB0]  }
0x29: {  	s4 =	sld [smem:$0x3FB2]  }
0x2a: {  	p0 =	seq.s32 s5, $0x0;
	s5 =	sld [smem:$0x3FB3]  }
0x2b: {  	s6 =	sld [smem:$0x3FB4]  }
0x2c: {  	s7 =	sld [smem:$0x3FB5]  }
0x2d: {  	s3 =	simm.s32 $0x108;
	s8 =	sld [smem:$0x3FB6]  }
0x2e: {  	s3 =	simm.s32 @!p0 $0x1082;
	s9 =	sld [smem:$0x3FB7]  }
0x2f: {  	lr =	sadd.s32 s0, s3;
	s0 =	sld [smem:$0x3FAE]  }
0x30: {  	s3 =	sld [smem:$0x3FB1]  }
0x31: {  	[smem:$0x3FBA] =	sst s10  }
0x32: {  	s10 =	sld [smem:$0x3FB8];
	_ =	sdelay $0x3  }
0x33: {  	p0 =	seq.s32 s10, $0x1;
	s10 =	sld [smem:$0x3FBA];
	_ =	sdelay $0x3  }
0x34: {  	[smem:$0x3FBA] =	sst s10  }
0x35: {  	s10 =	sld [smem:$0x3FB9];
	_ =	sdelay $0x3  }
0x36: {  	p1 =	seq.s32 s10, $0x1;
	s10 =	sld [smem:$0x3FBA];
	_ =	sdelay $0x3  }
0x37: {  	[smem:$0x3FBA] =	sst s10  }
0x38: {  	s10 =	sld [smem:$0x3FBB]  }
0x39: {  	_ = 	snop;
	(pc) =	sbr.ind lr, $3  }
0x3a: {  	_ = 	snop  }
0x3b: {  	_ = 	snop  }
0x3c: {  	p2 =	seq.s32 s10, $0x1;
	s10 =	sld [smem:$0x3FBA]  }
0x3d: {  	_ =	shalt  }
0x3e: {  	_ =	shalt  }
0x3f: {  	_ =	shalt  }
0x40: {  	_ =	shalt  }
0x41: {  	_ =	shalt  }
0x42: {  	_ =	shalt  }
0x43: {  	_ =	shalt  }
0x44: {  	_ =	shalt  }
0x45: {  	_ =	shalt  }
0x46: {  	_ =	shalt  }
0x47: {  	_ =	shalt  }
0x48: {  	_ =	shalt  }
0x49: {  	_ =	shalt  }
0x4a: {  	_ =	shalt  }
0x4b: {  	_ =	shalt  }
0x4c: {  	_ =	shalt  }
0x4d: {  	_ =	shalt  }
0x4e: {  	_ =	shalt  }
0x4f: {  	_ =	shalt  }
0x50: {  	_ =	shalt  }
0x51: {  	_ =	shalt  }
0x52: {  	_ =	shalt  }
0x53: {  	_ =	shalt  }
0x54: {  	_ =	shalt  }
0x55: {  	_ =	shalt  }
0x56: {  	_ =	shalt  }
0x57: {  	_ =	shalt  }
0x58: {  	_ =	shalt  }
0x59: {  	_ =	shalt  }
0x5a: {  	_ =	shalt  }
0x5b: {  	_ =	shalt  }
0x5c: {  	_ =	shalt  }
0x5d: {  	_ =	shalt  }
0x5e: {  	_ =	shalt  }
0x5f: {  	_ =	shalt  }
0x60: {  	_ =	shalt  }
0x61: {  	_ =	shalt  }
0x62: {  	_ =	shalt  }
0x63: {  	_ =	shalt  }
0x64: {  	_ =	shalt  }
0x65: {  	_ =	shalt  }
0x66: {  	_ =	shalt  }
0x67: {  	_ =	shalt  }
0x68: {  	_ =	shalt  }
0x69: {  	_ =	shalt  }
0x6a: {  	_ =	shalt  }
0x6b: {  	_ =	shalt  }
0x6c: {  	_ =	shalt  }
0x6d: {  	_ =	shalt  }
0x6e: {  	_ =	shalt  }
0x6f: {  	_ =	shalt  }
0x70: {  	_ =	shalt  }
0x71: {  	_ =	shalt  }
0x72: {  	_ =	shalt  }
0x73: {  	_ =	shalt  }
0x74: {  	_ =	shalt  }
0x75: {  	_ =	shalt  }
0x76: {  	_ =	shalt  }
0x77: {  	_ =	shalt  }
0x78: {  	_ =	shalt  }
0x79: {  	_ =	shalt  }
0x7a: {  	_ =	shalt  }
0x7b: {  	_ =	shalt  }
0x7c: {  	_ =	shalt  }
0x7d: {  	_ =	shalt  }
0x7e: {  	_ =	shalt  }
0x7f: {  	_ =	shalt  }
0x80: {  	_ =	shalt  }
0x81: {  	_ =	shalt  }
0x82: {  	_ =	shalt  }
0x83: {  	_ =	shalt  }
0x84: {  	_ =	shalt  }
0x85: {  	_ =	shalt  }
0x86: {  	_ =	shalt  }
0x87: {  	_ =	shalt  }
.Lfunc_end0:
.L_simem_size_0:
called_computation_lowered:
.L_overlay_start_0:
0x88: {  	s2 =	sld [smem:$0x3FD9]  }
0x89: {  	s3 =	sld [smem:$0x3FFE];
	_ =	sdelay $0x1  }
0x8a: {  	s1 =	srdreg.scid  }
0x8b: {  	s0 =	sand.u32 $0x1, s1  }
0x8c: {  	s17 =	sshll.u32 s0, $0xA;
	s2 =	sadd.s32 s3, s2  }
0x8d: {  	s2 =	sadd.s32 s2, s17  }
0x8e: {  	[smem:$0x3FC6] =	sst s2  }
0x8f: {  	_ = 	snop  }
0x90: {  	s2 =	sld [smem:$0x3FD0];
	(tm) =	ssettm $0x1  }
0x91: {  	s18 =	sld [smem:$0x3FFB];
	_ =	sdelay $0x3  }
0x92: {  	_ =	strace s18  }
0x93: {  	s3 =	sld [smem:$0x3FFC];
	_ =	sdelay $0x3  }
0x94: {  	_ =	strace s3  }
0x95: {  	s3 =	sld [smem:$0x3FFD];
	_ =	sdelay $0x3  }
0x96: {  	_ =	strace s3  }
0x97: {  	_ =	strace $0x8FFFFFFF  }
0x98: {  	s19 =	sld [smem:$0x3FDB];
	_ =	sdelay $0x1  }
0x99: {  	s4 =	simm.s32 $_scs_section_size  }
0x9a: {  	s5 =	simm.s32 $_size__tile_overlayer_lowered;
	s6 =	simm.s32 $_tile_overlayer_lowered  }
0x9b: {  	s22 =	simm.s32 $0x1BFF;
	s21 =	sshll.u32 s6, $0x1;
	s3 =	sadd.s32 s4, s19  }
0x9c: {  	s7 =	simm.s32 $0x0;
	s20 =	sshll.u32 s5, $0x1;
	s5 =	sadd.s32 s21, s3  }
0x9d: {  	[timem:s7], [sflag:s22] =	dma.local [hbm:s5], s20  }
0x9e: {  	_ =	swait.ge [sflag:s22], s20  }
0x9f: {  	s4 =	ssub.s32 $0x0, s20;
	[sflag:s22] =	ssyncset.done $0x0  }
0xa0: {  	[sflag:s22] =	ssyncadd.s32 s4;
	_ =	sdelay $0x1  }
0xa1: {  	s23 =	simm.s32 $0x1B8B  }
0xa2: {  	_ =	swait.ge [sflag:s23], $0x1  }
0xa3: {  	[sflag:s23] =	ssyncset.done $0x0  }
0xa4: {  	s25 =	simm.s32 $0x1B8E;
	s24 =	sld [smem:$0x3FFE];
	[sflag:s23] =	ssyncadd.s32 $0xFFFFFFFF  }
0xa5: {  	s26 =	simm.s32 $execute0_lowered;
	[smem:$0x3FD2] =	sst s25  }
0xa6: {  	s5 =	sshll.u32 s26, $0x1;
	_ =	strace $0x80000046;
	[dreg:$0x1] =	wrdreg $0xFFFFFFFF  }
0xa7: {  	s28 =	simm.s32 $_size_execute0_lowered;
	s3 =	sadd.s32 s3, s5;
	[dreg:$0x0] =	wrdreg $0x0  }
0xa8: {  	s5 =	sshll.u32 s28, $0x1;
	[dreg:$0x2] =	wrdreg s3  }
0xa9: {  	[dreg:$0x3] =	wrdreg s5  }
0xaa: {  	[dreg:$0x4] =	wrdreg $0xC0  }
0xab: {  	_ =	task [dreg:s7], $0x5FFFF  }
0xac: {  	[dreg:$0x1] =	wrdreg $0xFFFFFFFF  }
0xad: {  	[dreg:$0x0] =	wrdreg $0x60  }
0xae: {  	[dreg:$0x2] =	wrdreg s24  }
0xaf: {  	[dreg:$0x3] =	wrdreg s2  }
0xb0: {  	[dreg:$0x4] =	wrdreg $0x9  }
0xb1: {  	_ =	task.clear_ibuf [dreg:s7], $0x5FFFF;
	_ =	strace $0x90000046  }
0xb2: {  	s29 =	simm.s32 $0x9;
	_ =	strace $0x80000048  }
0xb3: {  	_ =	swait.ge [sflag:s29], $0x1  }
0xb4: {  	[sflag:s29] =	ssyncadd.s32 $0xFFFFFFFF  }
0xb5: {  	_ =	strace $0x90000048  }
0xb6: {  	_ =	sfence  }
0xb7: {  	s30 =	sld [smem:$0x0];
	_ =	sdelay $0x2  }
0xb8: {  	s31 =	sshll.u32 s1, $0xD;
	s1 =	sshrl.u32 s1, $0x2  }
0xb9: {  	s3 =	sand.u32 $0x4000, s31;
	s1 =	sadd.s32 s1, s30  }
0xba: {  	s0 =	sor.u32 s3, s0;
	s1 =	sshll.u32 s1, $0x11  }
0xbb: {  	s0 =	sor.u32 s1, s0  }
0xbc: {  	s0 =	sadd.s32 $0x8F2B, s0  }
0xbd: {  	[sflag:s0] =	ssyncadd.remote.s32 $0x1  }
0xbe: {  	_ =	sfence.sel $0xFFFF  }
0xbf: {  	[dreg:$0x0] =	wrdreg $0xFFFFFFFF;
	(pc) =	sbr.abs _section_cstart, $3  }
0xc0: {  	[dreg:$0x1] =	wrdreg $0xFFFFFFFF  }
0xc1: {  	_ =	task.clear_ibuf [dreg:s7], $0x2FFFF;
	_ =	strace $0x9FFFFFFF  }
0xc2: {  	(tm) =	ssettm $0x7FFFFFFF  }
0xc3: {  	_ =	shalt  }
tec
execute0_lowered:
.L_overlay_start_1:
0x0: {  	(tag) =	ssettag $0x1  }
0x1: {  	s0 =	srdreg.scid  }
0x2: {  	s8 =	stileid.u32;
	s1 =	rddreg [dreg:$0x0]  }
0x3: {  	s2 =	rddreg [dreg:$0x1];
	s14 =	simm.s32 $0x9;
	s15 =	simm.s32 $0x200  }
0x4: {  	s16 =	simm.s32 $0xC800;
	s17 =	simm.s32 $0x10800;
	s19 =	simm.s32 $0x14800  }
0x5: {  	s21 =	simm.s32 $0x18800;
	s22 =	simm.s32 $0x1;
	s23 =	simm.s32 $0x2  }
0x6: {  	s24 =	simm.s32 $0x5;
	s28 =	simm.s32 $0x4;
	s29 =	simm.s32 $0x7  }
0x7: {  	s0 =	sand.u32 $0x1, s0;
	s3 =	sshll.u32 s8, $0x1;
	s8 =	smul.u32 $0x19000, s8  }
0x8: {  	s4 =	sor.u32 s0, s3;
	s26 =	ssub.s32 $0x2, s0;
	s0 =	smul.u32 $0xC800, s0  }
0x9: {  	s30 =	simm.s32 $0x8;
	s3 =	simm.s32 $0x0;
	s5 =	smul.u32 $0xC800, s4  }
0xa: {  	s31 =	simm.s32 $0x0;
	[smem:$0x7FF] =	sst s3;
	s6 =	smul.u32 $0x32000, s4  }
0xb: {  	s7 =	smul.u32 $0x190000, s4;
	s9 =	sshrl.u32 s26, $0x1;
	_ =	strace $0x80000047  }
0xc: {  	s9 =	ssub.s32 s26, s9;
	s0 =	sadd.s32 s0, s8;
	s26 =	simm.s32 $0x6  }
0xd: {  	s5 =	sshrl.u32 s5, $0x3;
	s7 =	sshrl.u32 s7, $0x3;
	s0 =	sshll.u32 s0, $0x2  }
0xe: {  	s9 =	smax.u32 s9, $0x1;
	s25 =	sadd.s32 s5, s1;
	s1 =	sadd.s32 $0x32600, s1  }
0xf: {  	s4 =	sadd.s32 $0x600, s25;
	s5 =	sadd.s32 s1, s6;
	s10 =	sadd.s32 s1, s7  }
0x10: {  	s0 =	sadd.s32 s1, s0;
	s25 =	simm.s32 $0x3;
	s6 =	sadd.s32 $0x800, s5  }
0x11: {  	s7 =	sadd.s32 $0x31000, s10;
	s8 =	sadd.s32 $0x31800, s10;
	s10 =	sadd.s32 $0x1800, s0  }
0x12: {  	s11 =	sadd.s32 $0x1000, s0;
	s12 =	sadd.s32 $0x2800, s0;
	s13 =	sadd.s32 $0x2000, s0  }
.LBB2_1:
0x13: {  	[tilespmem:s3], [sflag:$0x9] =	stream.linear.gather [hbm4b:s4+s3], $0xC800, $0x38;
	[tilespmem:$0x1C800] =	vst v63  }
0x14: {  	_ =	swait.ge [sflag:s14], $0xC800  }
0x15: {  	[sflag:s14] =	ssyncset.done $0x0  }
0x16: {  	[sflag:s14] =	ssyncadd.s32 $0xFFFF3800  }
0x17: {  	[tilespmem:s16], [sflag:$0x1] =	stream.indirect.gather [hbm4b:s2+s15], $0x20, s3, s15, $0xb8;
	[tilespmem:$0x1C800] =	vst v63  }
0x18: {  	_ = 	snop  }
0x19: {  	[tilespmem:s17], [sflag:$0x2] =	stream.indirect.gather [hbm4b:s2+s15], $0x20, s15, s15, $0xb8;
	[tilespmem:$0x1C800] =	vst v63  }
0x1a: {  	s0 =	simm.s32 $0x400  }
0x1b: {  	[tilespmem:s19], [sflag:$0x3] =	stream.indirect.gather [hbm4b:s2+s15], $0x20, s0, s15, $0xb8;
	[tilespmem:$0x1C800] =	vst v63  }
0x1c: {  	s18 =	simm.s32 $0x600  }
0x1d: {  	[tilespmem:s21], [sflag:$0x4] =	stream.indirect.gather [hbm4b:s2+s15], $0x20, s18, s15, $0xb8;
	[tilespmem:$0x1C800] =	vst v63  }
0x1e: {  	_ =	swait.ge [sflag:s22], $0x4000  }
0x1f: {  	[sflag:s22] =	ssyncset.done $0x0  }
0x20: {  	[sflag:s22] =	ssyncadd.s32 $0xFFFFC000  }
0x21: {  	[hbm4b:s5+s3] =	stream.linear.scatter [tilespmem:s16], [sflag:$0x5], $0x4000, $0x38;
	[tilespmem:$0x1C800] =	vst v63  }
0x22: {  	_ =	swait.ge [sflag:s23], $0x4000  }
0x23: {  	[sflag:s23] =	ssyncset.done $0x0  }
0x24: {  	[sflag:s23] =	ssyncadd.s32 $0xFFFFC000  }
0x25: {  	[hbm4b:s6+s3] =	stream.linear.scatter [tilespmem:s17], [sflag:$0x6], $0x4000, $0x38;
	[tilespmem:$0x1C800] =	vst v63  }
0x26: {  	_ =	swait.ge [sflag:s24], $0x4000  }
0x27: {  	[sflag:s24] =	ssyncset.done $0x0  }
0x28: {  	s20 =	simm.s32 $0x800;
	[sflag:s24] =	ssyncadd.s32 $0xFFFFC000  }
0x29: {  	[tilespmem:s16], [sflag:$0x1] =	stream.indirect.gather [hbm4b:s2+s15], $0x20, s20, s15, $0xb8;
	[tilespmem:$0x1C800] =	vst v63  }
0x2a: {  	_ =	swait.ge [sflag:s25], $0x4000  }
0x2b: {  	[sflag:s25] =	ssyncset.done $0x0  }
0x2c: {  	s1 =	sadd.s32 $0x0, s11;
	[sflag:s25] =	ssyncadd.s32 $0xFFFFC000  }
0x2d: {  	[hbm4b:s1+s3] =	stream.linear.scatter [tilespmem:s19], [sflag:$0x7], $0x4000, $0x38;
	[tilespmem:$0x1C800] =	vst v63  }
0x2e: {  	_ =	swait.ge [sflag:s26], $0x4000  }
0x2f: {  	[sflag:s26] =	ssyncset.done $0x0  }
0x30: {  	s18 =	simm.s32 $0xA00;
	[sflag:s26] =	ssyncadd.s32 $0xFFFFC000  }
0x31: {  	[tilespmem:s17], [sflag:$0x2] =	stream.indirect.gather [hbm4b:s2+s15], $0x20, s18, s15, $0xb8;
	[tilespmem:$0x1C800] =	vst v63  }
0x32: {  	_ =	swait.ge [sflag:s28], $0x4000  }
0x33: {  	[sflag:s28] =	ssyncset.done $0x0  }
0x34: {  	s20 =	sadd.s32 $0x0, s10;
	[sflag:s28] =	ssyncadd.s32 $0xFFFFC000  }
0x35: {  	[hbm4b:s20+s3] =	stream.linear.scatter [tilespmem:s21], [sflag:$0x8], $0x4000, $0x38;
	[tilespmem:$0x1C800] =	vst v63  }
0x36: {  	_ =	swait.ge [sflag:s29], $0x4000  }
0x37: {  	[sflag:s29] =	ssyncset.done $0x0  }
0x38: {  	s1 =	simm.s32 $0xC00;
	[sflag:s29] =	ssyncadd.s32 $0xFFFFC000  }
0x39: {  	[tilespmem:s19], [sflag:$0x3] =	stream.indirect.gather [hbm4b:s2+s15], $0x20, s1, s15, $0xb8;
	[tilespmem:$0x1C800] =	vst v63  }
0x3a: {  	_ =	swait.ge [sflag:s22], $0x4000  }
0x3b: {  	[sflag:s22] =	ssyncset.done $0x0  }
0x3c: {  	s18 =	sadd.s32 $0x0, s13;
	[sflag:s22] =	ssyncadd.s32 $0xFFFFC000  }
0x3d: {  	[hbm4b:s18+s3] =	stream.linear.scatter [tilespmem:s16], [sflag:$0x5], $0x4000, $0x38;
	[tilespmem:$0x1C800] =	vst v63  }
0x3e: {  	_ =	swait.ge [sflag:s30], $0x4000  }
0x3f: {  	[sflag:s30] =	ssyncset.done $0x0  }
0x40: {  	s20 =	simm.s32 $0xE00;
	[sflag:s30] =	ssyncadd.s32 $0xFFFFC000  }
0x41: {  	[tilespmem:s21], [sflag:$0x4] =	stream.indirect.gather [hbm4b:s2+s15], $0x20, s20, s15, $0xb8;
	[tilespmem:$0x1C800] =	vst v63  }
0x42: {  	_ =	swait.ge [sflag:s23], $0x4000  }
0x43: {  	[sflag:s23] =	ssyncset.done $0x0  }
0x44: {  	s0 =	sadd.s32 $0x0, s12;
	s1 =	simm.s32 $0x2000;
	[sflag:s23] =	ssyncadd.s32 $0xFFFFC000  }
.LBB2_2:
0x45: {  	[hbm4b:s0+s3] =	stream.linear.scatter [tilespmem:s17], [sflag:$0x6], $0x4000, $0x38;
	[tilespmem:$0x1C800] =	vst v63  }
0x46: {  	s0 =	smov.u32 s1  }
0x47: {  	p0 =	sne.s32 s1, $0x2E000;
	s1 =	sadd.s32 $0x2000, s1;
	_ =	swait.ge [sflag:s24], $0x4000  }
0x48: {  	s18 =	sshra.s32 s0, $0x2;
	[sflag:s24] =	ssyncset.done $0x0  }
0x49: {  	s20 =	sadd.s32 $0x800, s18;
	[sflag:s24] =	ssyncadd.s32 $0xFFFFC000  }
0x4a: {  	[tilespmem:s16], [sflag:$0x1] =	stream.indirect.gather [hbm4b:s2+s15], $0x20, s20, s15, $0xb8;
	[tilespmem:$0x1C800] =	vst v63  }
0x4b: {  	_ =	swait.ge [sflag:s25], $0x4000  }
0x4c: {  	[sflag:s25] =	ssyncset.done $0x0  }
0x4d: {  	s20 =	sadd.s32 s0, s11;
	[sflag:s25] =	ssyncadd.s32 $0xFFFFC000  }
0x4e: {  	[hbm4b:s20+s3] =	stream.linear.scatter [tilespmem:s19], [sflag:$0x7], $0x4000, $0x38;
	[tilespmem:$0x1C800] =	vst v63  }
0x4f: {  	_ =	swait.ge [sflag:s26], $0x4000  }
0x50: {  	[sflag:s26] =	ssyncset.done $0x0  }
0x51: {  	s20 =	sadd.s32 $0xA00, s18;
	[sflag:s26] =	ssyncadd.s32 $0xFFFFC000  }
0x52: {  	[tilespmem:s17], [sflag:$0x2] =	stream.indirect.gather [hbm4b:s2+s15], $0x20, s20, s15, $0xb8;
	[tilespmem:$0x1C800] =	vst v63  }
0x53: {  	_ =	swait.ge [sflag:s28], $0x4000  }
0x54: {  	[sflag:s28] =	ssyncset.done $0x0  }
0x55: {  	s20 =	sadd.s32 s0, s10;
	[sflag:s28] =	ssyncadd.s32 $0xFFFFC000  }
0x56: {  	[hbm4b:s20+s3] =	stream.linear.scatter [tilespmem:s21], [sflag:$0x8], $0x4000, $0x38;
	[tilespmem:$0x1C800] =	vst v63  }
0x57: {  	_ =	swait.ge [sflag:s29], $0x4000  }
0x58: {  	[sflag:s29] =	ssyncset.done $0x0  }
0x59: {  	s20 =	sadd.s32 $0xC00, s18;
	[sflag:s29] =	ssyncadd.s32 $0xFFFFC000  }
0x5a: {  	[tilespmem:s19], [sflag:$0x3] =	stream.indirect.gather [hbm4b:s2+s15], $0x20, s20, s15, $0xb8;
	[tilespmem:$0x1C800] =	vst v63  }
0x5b: {  	_ =	swait.ge [sflag:s22], $0x4000  }
0x5c: {  	[sflag:s22] =	ssyncset.done $0x0  }
0x5d: {  	s20 =	sadd.s32 s0, s13;
	[sflag:s22] =	ssyncadd.s32 $0xFFFFC000  }
0x5e: {  	[hbm4b:s20+s3] =	stream.linear.scatter [tilespmem:s16], [sflag:$0x5], $0x4000, $0x38;
	[tilespmem:$0x1C800] =	vst v63  }
0x5f: {  	_ =	swait.ge [sflag:s30], $0x4000  }
0x60: {  	[sflag:s30] =	ssyncset.done $0x0  }
.Ltmp0:
0x61: {  	s18 =	sadd.s32 $0xE00, s18;
	[sflag:s30] =	ssyncadd.s32 $0xFFFFC000;
	(pc) =	sbr.rel @p0 .LBB2_2-.Ltmp0, $4  }
0x62: {  	[tilespmem:s21], [sflag:$0x4] =	stream.indirect.gather [hbm4b:s2+s15], $0x20, s18, s15, $0xb8;
	[tilespmem:$0x1C800] =	vst v63  }
0x63: {  	_ =	swait.ge [sflag:s23], $0x4000  }
0x64: {  	[sflag:s23] =	ssyncset.done $0x0  }
0x65: {  	s0 =	sadd.s32 s0, s12;
	[sflag:s23] =	ssyncadd.s32 $0xFFFFC000  }
0x66: {  	[hbm4b:s0+s3] =	stream.linear.scatter [tilespmem:s17], [sflag:$0x6], $0x4000, $0x38;
	[tilespmem:$0x1C800] =	vst v63  }
0x67: {  	_ =	swait.ge [sflag:s25], $0x4000  }
0x68: {  	[sflag:s25] =	ssyncset.done $0x0  }
0x69: {  	[sflag:s25] =	ssyncadd.s32 $0xFFFFC000  }
0x6a: {  	[hbm4b:s7+s3] =	stream.linear.scatter [tilespmem:s19], [sflag:$0x7], $0x4000, $0x38;
	[tilespmem:$0x1C800] =	vst v63  }
0x6b: {  	_ =	swait.ge [sflag:s28], $0x4000  }
0x6c: {  	[sflag:s28] =	ssyncset.done $0x0  }
0x6d: {  	[sflag:s28] =	ssyncadd.s32 $0xFFFFC000  }
0x6e: {  	[hbm4b:s8+s3] =	stream.linear.scatter [tilespmem:s21], [sflag:$0x8], $0x4000, $0x38;
	[tilespmem:$0x1C800] =	vst v63  }
0x6f: {  	_ =	swait.ge [sflag:s24], $0x4000  }
0x70: {  	[sflag:s24] =	ssyncset.done $0x0  }
0x71: {  	[sflag:s24] =	ssyncadd.s32 $0xFFFFC000  }
0x72: {  	_ =	swait.ge [sflag:s26], $0x4000  }
0x73: {  	[sflag:s26] =	ssyncset.done $0x0  }
0x74: {  	s31 =	sadd.s32 $0x1, s31;
	[sflag:s26] =	ssyncadd.s32 $0xFFFFC000  }
0x75: {  	p0 =	sne.s32 s31, s9;
	_ =	swait.ge [sflag:s29], $0x4000  }
.Ltmp1:
0x76: {  	[sflag:s29] =	ssyncset.done $0x0;
	(pc) =	sbr.rel @p0 .LBB2_1-.Ltmp1, $4  }
0x77: {  	[sflag:s29] =	ssyncadd.s32 $0xFFFFC000  }
0x78: {  	_ =	swait.ge [sflag:s30], $0x4000  }
0x79: {  	[sflag:s30] =	ssyncset.done $0x0  }
0x7a: {  	[sflag:s30] =	ssyncadd.s32 $0xFFFFC000  }
0x7b: {  	_ =	sfence.sel $0x180000  }
0x7c: {  	[bflag:$0x0] =	sbarrier.arrive $0xFFFF  }
0x7d: {  	_ =	strace $0x90000047  }
0x7e: {  	s0 =	stileid.u32;
	[bflag:$0x2] =	sbarrier.arrive $0xFFFF  }
0x7f: {  	p0 =	sne.s32 s0, $0x0;
	s0 =	rddreg [dreg:$0x2]  }
0x80: {  	s0 =	sadd.s32 @!p0 $0x100000, s0  }
0x81: {  	[sflag:s0] =	ssyncadd.tile.s32 @!p0 $0x1;
	_ =	shalt  }
.Lfunc_end2:
_tile_overlayer_lowered:
.L_overlay_start_2:
0x82: {  	(tag) =	ssettag $0x2  }
0x83: {  	s0 =	rddreg [dreg:$0x0];
	s2 =	stileid.u32  }
0x84: {  	s1 =	rddreg [dreg:$0x1];
	p0 =	sne.s32 s2, $0x0  }
0x85: {  	s3 =	rddreg [dreg:$0x2];
	[bflag:$0x3] =	sbarrier.arrive $0xFFFF;
	s2 =	simm.s32 @!p0 $0x1C09  }
0x86: {  	[timem:s3], [sflag:s2] =	dma.local @!p0 [hbm:s0], s1  }
0x87: {  	s0 =	simm.s32 @!p0 $0x9  }
0x88: {  	_ =	swait.ge @!p0 [sflag:s0], s1  }
0x89: {  	s1 =	ssub.s32 @!p0 $0x0, s1;
	[sflag:s0] =	ssyncset.done @!p0 $0x0  }
0x8a: {  	[sflag:s0] =	ssyncadd.s32 @!p0 s1  }
0x8b: {  	[bflag:$0x3] =	sbarrier.arrive $0xFFFF  }
0x8c: {  	_ =	shalt  }

</sc_bundles>
